<compile_context>
chip_gen: v7x
topology: tpu7x:2x2x1
jax: 0.10.2.dev20260603
libtpu: 0.0.44.dev20260713+nightly
codegen_flags: <defaults>
</compile_context>

<pallas_src>
import functools

import jax
import jax.numpy as jnp
from jax import lax
from jax.experimental import pallas as pl
from jax.experimental.pallas import tpu as pltpu
from jax.experimental.pallas import tpu_sc as plsc


def _score_kernel(q_ref, items_ref, part_ref, idx_ref, norms_ref, *, K, M, CH):
    i = pl.program_id(0)

    @pl.when(i == 0)
    def _compute_norms():
        it = items_ref[...]
        norms_ref[...] = jnp.sum(it * it, axis=1, keepdims=True)

    qb = q_ref[0]
    T = qb.shape[0]
    qnorm = jnp.sum(qb * qb, axis=1, keepdims=True)

    best_val = None
    for c in range(M // CH):
        ic = items_ref[pl.ds(c * CH, CH), :]
        s = jax.lax.dot_general(
            qb, ic, (((1,), (1,)), ((), ())),
            preferred_element_type=jnp.float32)
        gidx = (jax.lax.broadcasted_iota(jnp.int32, (1, CH), 1)
                .astype(jnp.float32) + float(c * CH))
        cmax = jnp.max(s, axis=1, keepdims=True)
        mask = s == cmax
        lidx = jnp.min(jnp.where(mask, gidx, float(M)), axis=1, keepdims=True)
        if best_val is None:
            best_val, best_idx = cmax, lidx
        else:
            better = (cmax > best_val) | ((cmax == best_val) & (lidx < best_idx))
            best_val = jnp.where(better, cmax, best_val)
            best_idx = jnp.where(better, lidx, best_idx)

    part = qnorm - 2.0 * best_val
    idx_ref[0] = best_idx.astype(jnp.int32)

    @pl.when(i % K == 0)
    def _init():
        part_ref[0] = part

    @pl.when(i % K != 0)
    def _acc():
        part_ref[0] = part_ref[0] + part


def _tc_call(queries, items):
    B, K, T, N = queries.shape
    M = items.shape[0]
    q = queries.reshape(B * K, T, N)
    CH = 2048
    part, idx, norms = pl.pallas_call(
        functools.partial(_score_kernel, K=K, M=M, CH=CH),
        grid=(B * K,),
        in_specs=[
            pl.BlockSpec((1, T, N), lambda i: (i, 0, 0)),
            pl.BlockSpec((M, N), lambda i: (0, 0)),
        ],
        out_specs=[
            pl.BlockSpec((1, T, 1), lambda i: (i // K, 0, 0)),
            pl.BlockSpec((1, T, 1), lambda i: (i, 0, 0)),
            pl.BlockSpec((M, 1), lambda i: (0, 0)),
        ],
        out_shape=[
            jax.ShapeDtypeStruct((B, T, 1), jnp.float32),
            jax.ShapeDtypeStruct((B * K, T, 1), jnp.int32),
            jax.ShapeDtypeStruct((M, 1), jnp.float32),
        ],
    )(q, items)
    return part.reshape(B * T), idx.reshape(B * K * T), norms.reshape(M)


def _sc_gather_call(part, idx, norms, B, K, T):
    M = norms.shape[0]
    info = plsc.get_sparse_core_info()
    nw = info.num_cores * info.num_subcores
    span = (B * T) // nw
    wpb = T // span
    assert wpb & (wpb - 1) == 0
    wpb_log2 = wpb.bit_length() - 1
    mesh = plsc.VectorSubcoreMesh(
        core_axis_name="c", subcore_axis_name="s")

    offs = list(range(0, span - 16, 16)) + [span - 16]

    @functools.partial(
        pl.kernel, mesh=mesh,
        compiler_params=pltpu.CompilerParams(needs_layout_passes=False),
        out_type=jax.ShapeDtypeStruct((B * T,), jnp.float32),
        scratch_types=[
            pltpu.VMEM((M,), jnp.float32),
            pltpu.VMEM((span,), jnp.float32),
            pltpu.VMEM((K * span,), jnp.int32),
            pltpu.VMEM((span,), jnp.float32),
        ],
    )
    def sc_body(part_hbm, idx_hbm, norms_hbm, out_hbm, norms_v, part_v,
                idx_v, acc_v):
        wid = lax.axis_index("s") * info.num_cores + lax.axis_index("c")
        j0 = wid * span
        b = lax.shift_right_logical(wid, wpb_log2)
        t0 = jnp.bitwise_and(wid, wpb - 1) * span
        pltpu.sync_copy(norms_hbm, norms_v)
        pltpu.sync_copy(part_hbm.at[pl.ds(j0, span)], part_v)
        for k in range(K):
            r = b * (K * T) + k * T + t0
            pltpu.sync_copy(idx_hbm.at[pl.ds(r, span)],
                            idx_v.at[pl.ds(k * span, span)])
        for o in offs:
            s = part_v[pl.ds(o, 16)]
            for k in range(K):
                g = plsc.load_gather(norms_v, [idx_v[pl.ds(k * span + o, 16)]])
                s = s + g
            acc_v[pl.ds(o, 16)] = s
        pltpu.sync_copy(acc_v, out_hbm.at[pl.ds(j0, span)])

    return sc_body(part, idx, norms)


def kernel(queries, items):
    B, K, T, N = queries.shape
    part, idx, norms = _tc_call(queries, items)
    out = _sc_gather_call(part, idx, norms, B, K, T)
    return out.reshape(B, T)

# --- scband reference (transcript-rebuilt; emitter-appended) ---
"""Pipeline reference for scband-gathering-loss-dim-7739531067608 (READ-ONLY COPY).

The authoritative reference and input builder live on the scoring server;
editing this copy changes nothing except your own understanding.
"""

import jax, jax.numpy as jnp
import numpy as np


def setup_inputs(seed: int = 0) -> dict:
    key = jax.random.key(seed)
    k1, k2 = jax.random.split(key)
    queries = jax.random.normal(k1, (4, 4, 576, 64), dtype=jnp.float32)
    items = jax.random.normal(k2, (8192, 64), dtype=jnp.float32)
    return {"queries": queries, "items": items}


def reference(queries, items):
    B, K, T, N = queries.shape
    M = items.shape[0]
    q = queries.reshape(-1, N)
    # get_score: matmul query x key^T, then softmax over memory dim
    score = jnp.matmul(q, items.T)
    score = jax.nn.softmax(score, axis=1)
    score = score.reshape(B, K, T, M)
    qr = q.reshape(B, K, T, N)
    # top-1 over memory items
    _, indices = jax.lax.top_k(score, 1)  # (B, K, T, 1)
    gathered = items[indices[..., 0]]  # (B, K, T, N) == items[indices].squeeze(-2)
    # elementwise MSE (reduce=False), then sum over channel dim and K dim
    gathering_loss = (qr - gathered) ** 2
    gathering_loss = gathering_loss.sum(-1).sum(1)  # (B, T)
    return gathering_loss

if __name__ == "__main__":
    import jax
    _d = setup_inputs()
    print(jax.jit(kernel)(*tuple(_d.values())))

</pallas_src>

<mosaic_0001>
#map = affine_map<(d0, d1) -> (0)>
module attributes {stable_mosaic.version = 14 : i64} {
  func.func @sc_body(%arg0: i32, %arg1: i32, %arg2: memref<2304xf32, #tpu.memory_space<hbm>>, %arg3: memref<9216xi32, #tpu.memory_space<hbm>>, %arg4: memref<8192xf32, #tpu.memory_space<hbm>>, %arg5: memref<2304xf32, #tpu.memory_space<hbm>>, %arg6: memref<8192xf32, #tpu.memory_space<vmem>>, %arg7: memref<72xf32, #tpu.memory_space<vmem>>, %arg8: memref<288xi32, #tpu.memory_space<vmem>>, %arg9: memref<72xf32, #tpu.memory_space<vmem>>) attributes {dimension_semantics = [#tpu.dimension_semantics<core_parallel>, #tpu.dimension_semantics<subcore_parallel>], iteration_bounds = array<i64: 2, 16>, scalar_prefetch = 0 : i64, scratch_operands = 4 : i64, tpu.core_type = #tpu.core_type<sc_vector_subcore>, window_params = [{transform_indices = #map}, {transform_indices = #map}, {transform_indices = #map}, {transform_indices = #map}]} {
    %mul3A = arith.constant 2 : i32
    %mul3A_0 = arith.muli %arg1, %mul3A : i32
    %add3A = arith.addi %mul3A_0, %arg0 : i32
    %mul3A_1 = arith.constant 72 : i32
    %mul3A_2 = arith.muli %add3A, %mul3A_1 : i32
    %shift_right_logical3A = arith.constant 3 : i32
    %shift_right_logical3A_3 = arith.shrui %add3A, %shift_right_logical3A : i32
    %and3A = arith.constant 7 : i32
    %and3A_4 = arith.andi %add3A, %and3A : i32
    %mul3A_5 = arith.constant 72 : i32
    %mul3A_6 = arith.muli %and3A_4, %mul3A_5 : i32
    "tpu.region"() ({
      %run_scoped3A = tpu.sem_alloc : memref<!tpu.dma_semaphore, #tpu.memory_space<semaphore_mem>>
      tpu.enqueue_dma source(%arg4 : memref<8192xf32, #tpu.memory_space<hbm>>) target(%arg6 : memref<8192xf32, #tpu.memory_space<vmem>>) target_semaphore(%run_scoped3A : memref<!tpu.dma_semaphore, #tpu.memory_space<semaphore_mem>>)
      tpu.wait_dma2 semaphore(%run_scoped3A : memref<!tpu.dma_semaphore, #tpu.memory_space<semaphore_mem>>) src(%arg4 : memref<8192xf32, #tpu.memory_space<hbm>>) dst(%arg6 : memref<8192xf32, #tpu.memory_space<vmem>>)
      tpu.yield
    }) : () -> ()
    "tpu.region"() ({
      %run_scoped3A = tpu.sem_alloc : memref<!tpu.dma_semaphore, #tpu.memory_space<semaphore_mem>>
      %dma_start3A = tpu.memref_slice %arg2[%mul3A_2] : memref<2304xf32, #tpu.memory_space<hbm>> -> memref<72xf32, #tpu.memory_space<hbm>>
      %dma_start3A_124 = tpu.memref_slice %arg2[%mul3A_2] : memref<2304xf32, #tpu.memory_space<hbm>> -> memref<72xf32, #tpu.memory_space<hbm>>
      tpu.enqueue_dma source(%dma_start3A_124 : memref<72xf32, #tpu.memory_space<hbm>>) target(%arg7 : memref<72xf32, #tpu.memory_space<vmem>>) target_semaphore(%run_scoped3A : memref<!tpu.dma_semaphore, #tpu.memory_space<semaphore_mem>>)
      %dma_wait3A = tpu.memref_slice %arg2[%mul3A_2] : memref<2304xf32, #tpu.memory_space<hbm>> -> memref<72xf32, #tpu.memory_space<hbm>>
      %dma_wait3A_125 = tpu.memref_slice %arg2[%mul3A_2] : memref<2304xf32, #tpu.memory_space<hbm>> -> memref<72xf32, #tpu.memory_space<hbm>>
      tpu.wait_dma2 semaphore(%run_scoped3A : memref<!tpu.dma_semaphore, #tpu.memory_space<semaphore_mem>>) src(%dma_wait3A_125 : memref<72xf32, #tpu.memory_space<hbm>>) dst(%arg7 : memref<72xf32, #tpu.memory_space<vmem>>)
      tpu.yield
    }) : () -> ()
    %mul3A_7 = arith.constant 2304 : i32
    %mul3A_8 = arith.muli %shift_right_logical3A_3, %mul3A_7 : i32
    %add3A_9 = arith.constant 0 : i32
    %add3A_10 = arith.addi %mul3A_8, %add3A_9 : i32
    %add3A_11 = arith.addi %add3A_10, %mul3A_6 : i32
    "tpu.region"() ({
      %run_scoped3A = tpu.sem_alloc : memref<!tpu.dma_semaphore, #tpu.memory_space<semaphore_mem>>
      %dma_start3A = arith.constant 0 : i32
      %dma_start3A_124 = tpu.memref_slice %arg8[%dma_start3A] : memref<288xi32, #tpu.memory_space<vmem>> -> memref<72xi32, #tpu.memory_space<vmem>>
      %dma_start3A_125 = tpu.memref_slice %arg3[%add3A_11] : memref<9216xi32, #tpu.memory_space<hbm>> -> memref<72xi32, #tpu.memory_space<hbm>>
      %dma_start3A_126 = arith.constant 0 : i32
      %dma_start3A_127 = tpu.memref_slice %arg8[%dma_start3A_126] : memref<288xi32, #tpu.memory_space<vmem>> -> memref<72xi32, #tpu.memory_space<vmem>>
      %dma_start3A_128 = tpu.memref_slice %arg3[%add3A_11] : memref<9216xi32, #tpu.memory_space<hbm>> -> memref<72xi32, #tpu.memory_space<hbm>>
      tpu.enqueue_dma source(%dma_start3A_128 : memref<72xi32, #tpu.memory_space<hbm>>) target(%dma_start3A_127 : memref<72xi32, #tpu.memory_space<vmem>>) target_semaphore(%run_scoped3A : memref<!tpu.dma_semaphore, #tpu.memory_space<semaphore_mem>>)
      %dma_wait3A = arith.constant 0 : i32
      %dma_wait3A_129 = tpu.memref_slice %arg8[%dma_wait3A] : memref<288xi32, #tpu.memory_space<vmem>> -> memref<72xi32, #tpu.memory_space<vmem>>
      %dma_wait3A_130 = tpu.memref_slice %arg3[%add3A_11] : memref<9216xi32, #tpu.memory_space<hbm>> -> memref<72xi32, #tpu.memory_space<hbm>>
      %dma_wait3A_131 = arith.constant 0 : i32
      %dma_wait3A_132 = tpu.memref_slice %arg8[%dma_wait3A_131] : memref<288xi32, #tpu.memory_space<vmem>> -> memref<72xi32, #tpu.memory_space<vmem>>
      %dma_wait3A_133 = tpu.memref_slice %arg3[%add3A_11] : memref<9216xi32, #tpu.memory_space<hbm>> -> memref<72xi32, #tpu.memory_space<hbm>>
      tpu.wait_dma2 semaphore(%run_scoped3A : memref<!tpu.dma_semaphore, #tpu.memory_space<semaphore_mem>>) src(%dma_wait3A_133 : memref<72xi32, #tpu.memory_space<hbm>>) dst(%dma_wait3A_132 : memref<72xi32, #tpu.memory_space<vmem>>)
      tpu.yield
    }) : () -> ()
    %mul3A_12 = arith.constant 2304 : i32
    %mul3A_13 = arith.muli %shift_right_logical3A_3, %mul3A_12 : i32
    %add3A_14 = arith.constant 576 : i32
    %add3A_15 = arith.addi %mul3A_13, %add3A_14 : i32
    %add3A_16 = arith.addi %add3A_15, %mul3A_6 : i32
    "tpu.region"() ({
      %run_scoped3A = tpu.sem_alloc : memref<!tpu.dma_semaphore, #tpu.memory_space<semaphore_mem>>
      %dma_start3A = arith.constant 72 : i32
      %dma_start3A_124 = tpu.memref_slice %arg8[%dma_start3A] : memref<288xi32, #tpu.memory_space<vmem>> -> memref<72xi32, #tpu.memory_space<vmem>>
      %dma_start3A_125 = tpu.memref_slice %arg3[%add3A_16] : memref<9216xi32, #tpu.memory_space<hbm>> -> memref<72xi32, #tpu.memory_space<hbm>>
      %dma_start3A_126 = arith.constant 72 : i32
      %dma_start3A_127 = tpu.memref_slice %arg8[%dma_start3A_126] : memref<288xi32, #tpu.memory_space<vmem>> -> memref<72xi32, #tpu.memory_space<vmem>>
      %dma_start3A_128 = tpu.memref_slice %arg3[%add3A_16] : memref<9216xi32, #tpu.memory_space<hbm>> -> memref<72xi32, #tpu.memory_space<hbm>>
      tpu.enqueue_dma source(%dma_start3A_128 : memref<72xi32, #tpu.memory_space<hbm>>) target(%dma_start3A_127 : memref<72xi32, #tpu.memory_space<vmem>>) target_semaphore(%run_scoped3A : memref<!tpu.dma_semaphore, #tpu.memory_space<semaphore_mem>>)
      %dma_wait3A = arith.constant 72 : i32
      %dma_wait3A_129 = tpu.memref_slice %arg8[%dma_wait3A] : memref<288xi32, #tpu.memory_space<vmem>> -> memref<72xi32, #tpu.memory_space<vmem>>
      %dma_wait3A_130 = tpu.memref_slice %arg3[%add3A_16] : memref<9216xi32, #tpu.memory_space<hbm>> -> memref<72xi32, #tpu.memory_space<hbm>>
      %dma_wait3A_131 = arith.constant 72 : i32
      %dma_wait3A_132 = tpu.memref_slice %arg8[%dma_wait3A_131] : memref<288xi32, #tpu.memory_space<vmem>> -> memref<72xi32, #tpu.memory_space<vmem>>
      %dma_wait3A_133 = tpu.memref_slice %arg3[%add3A_16] : memref<9216xi32, #tpu.memory_space<hbm>> -> memref<72xi32, #tpu.memory_space<hbm>>
      tpu.wait_dma2 semaphore(%run_scoped3A : memref<!tpu.dma_semaphore, #tpu.memory_space<semaphore_mem>>) src(%dma_wait3A_133 : memref<72xi32, #tpu.memory_space<hbm>>) dst(%dma_wait3A_132 : memref<72xi32, #tpu.memory_space<vmem>>)
      tpu.yield
    }) : () -> ()
    %mul3A_17 = arith.constant 2304 : i32
    %mul3A_18 = arith.muli %shift_right_logical3A_3, %mul3A_17 : i32
    %add3A_19 = arith.constant 1152 : i32
    %add3A_20 = arith.addi %mul3A_18, %add3A_19 : i32
    %add3A_21 = arith.addi %add3A_20, %mul3A_6 : i32
    "tpu.region"() ({
      %run_scoped3A = tpu.sem_alloc : memref<!tpu.dma_semaphore, #tpu.memory_space<semaphore_mem>>
      %dma_start3A = arith.constant 144 : i32
      %dma_start3A_124 = tpu.memref_slice %arg8[%dma_start3A] : memref<288xi32, #tpu.memory_space<vmem>> -> memref<72xi32, #tpu.memory_space<vmem>>
      %dma_start3A_125 = tpu.memref_slice %arg3[%add3A_21] : memref<9216xi32, #tpu.memory_space<hbm>> -> memref<72xi32, #tpu.memory_space<hbm>>
      %dma_start3A_126 = arith.constant 144 : i32
      %dma_start3A_127 = tpu.memref_slice %arg8[%dma_start3A_126] : memref<288xi32, #tpu.memory_space<vmem>> -> memref<72xi32, #tpu.memory_space<vmem>>
      %dma_start3A_128 = tpu.memref_slice %arg3[%add3A_21] : memref<9216xi32, #tpu.memory_space<hbm>> -> memref<72xi32, #tpu.memory_space<hbm>>
      tpu.enqueue_dma source(%dma_start3A_128 : memref<72xi32, #tpu.memory_space<hbm>>) target(%dma_start3A_127 : memref<72xi32, #tpu.memory_space<vmem>>) target_semaphore(%run_scoped3A : memref<!tpu.dma_semaphore, #tpu.memory_space<semaphore_mem>>)
      %dma_wait3A = arith.constant 144 : i32
      %dma_wait3A_129 = tpu.memref_slice %arg8[%dma_wait3A] : memref<288xi32, #tpu.memory_space<vmem>> -> memref<72xi32, #tpu.memory_space<vmem>>
      %dma_wait3A_130 = tpu.memref_slice %arg3[%add3A_21] : memref<9216xi32, #tpu.memory_space<hbm>> -> memref<72xi32, #tpu.memory_space<hbm>>
      %dma_wait3A_131 = arith.constant 144 : i32
      %dma_wait3A_132 = tpu.memref_slice %arg8[%dma_wait3A_131] : memref<288xi32, #tpu.memory_space<vmem>> -> memref<72xi32, #tpu.memory_space<vmem>>
      %dma_wait3A_133 = tpu.memref_slice %arg3[%add3A_21] : memref<9216xi32, #tpu.memory_space<hbm>> -> memref<72xi32, #tpu.memory_space<hbm>>
      tpu.wait_dma2 semaphore(%run_scoped3A : memref<!tpu.dma_semaphore, #tpu.memory_space<semaphore_mem>>) src(%dma_wait3A_133 : memref<72xi32, #tpu.memory_space<hbm>>) dst(%dma_wait3A_132 : memref<72xi32, #tpu.memory_space<vmem>>)
      tpu.yield
    }) : () -> ()
    %mul3A_22 = arith.constant 2304 : i32
    %mul3A_23 = arith.muli %shift_right_logical3A_3, %mul3A_22 : i32
    %add3A_24 = arith.constant 1728 : i32
    %add3A_25 = arith.addi %mul3A_23, %add3A_24 : i32
    %add3A_26 = arith.addi %add3A_25, %mul3A_6 : i32
    "tpu.region"() ({
      %run_scoped3A = tpu.sem_alloc : memref<!tpu.dma_semaphore, #tpu.memory_space<semaphore_mem>>
      %dma_start3A = arith.constant 216 : i32
      %dma_start3A_124 = tpu.memref_slice %arg8[%dma_start3A] : memref<288xi32, #tpu.memory_space<vmem>> -> memref<72xi32, #tpu.memory_space<vmem>>
      %dma_start3A_125 = tpu.memref_slice %arg3[%add3A_26] : memref<9216xi32, #tpu.memory_space<hbm>> -> memref<72xi32, #tpu.memory_space<hbm>>
      %dma_start3A_126 = arith.constant 216 : i32
      %dma_start3A_127 = tpu.memref_slice %arg8[%dma_start3A_126] : memref<288xi32, #tpu.memory_space<vmem>> -> memref<72xi32, #tpu.memory_space<vmem>>
      %dma_start3A_128 = tpu.memref_slice %arg3[%add3A_26] : memref<9216xi32, #tpu.memory_space<hbm>> -> memref<72xi32, #tpu.memory_space<hbm>>
      tpu.enqueue_dma source(%dma_start3A_128 : memref<72xi32, #tpu.memory_space<hbm>>) target(%dma_start3A_127 : memref<72xi32, #tpu.memory_space<vmem>>) target_semaphore(%run_scoped3A : memref<!tpu.dma_semaphore, #tpu.memory_space<semaphore_mem>>)
      %dma_wait3A = arith.constant 216 : i32
      %dma_wait3A_129 = tpu.memref_slice %arg8[%dma_wait3A] : memref<288xi32, #tpu.memory_space<vmem>> -> memref<72xi32, #tpu.memory_space<vmem>>
      %dma_wait3A_130 = tpu.memref_slice %arg3[%add3A_26] : memref<9216xi32, #tpu.memory_space<hbm>> -> memref<72xi32, #tpu.memory_space<hbm>>
      %dma_wait3A_131 = arith.constant 216 : i32
      %dma_wait3A_132 = tpu.memref_slice %arg8[%dma_wait3A_131] : memref<288xi32, #tpu.memory_space<vmem>> -> memref<72xi32, #tpu.memory_space<vmem>>
      %dma_wait3A_133 = tpu.memref_slice %arg3[%add3A_26] : memref<9216xi32, #tpu.memory_space<hbm>> -> memref<72xi32, #tpu.memory_space<hbm>>
      tpu.wait_dma2 semaphore(%run_scoped3A : memref<!tpu.dma_semaphore, #tpu.memory_space<semaphore_mem>>) src(%dma_wait3A_133 : memref<72xi32, #tpu.memory_space<hbm>>) dst(%dma_wait3A_132 : memref<72xi32, #tpu.memory_space<vmem>>)
      tpu.yield
    }) : () -> ()
    %get3A = arith.constant 0 : index
    %get3A_27 = tpu.vector_load %arg7[%get3A] {strides = array<i32>} : memref<72xf32, #tpu.memory_space<vmem>>, vector<16xf32>,
    %get3A_28 = arith.constant 0 : index
    %get3A_29 = tpu.vector_load %arg8[%get3A_28] {strides = array<i32>} : memref<288xi32, #tpu.memory_space<vmem>>, vector<16xi32>,
    %gather3A = tpu.vector_load_idx %arg6[%get3A_29] : memref<8192xf32, #tpu.memory_space<vmem>>[vector<16xi32>], vector<16xf32>,
    %add3A_30 = arith.addf %get3A_27, %gather3A : vector<16xf32>
    %get3A_31 = arith.constant 72 : index
    %get3A_32 = tpu.vector_load %arg8[%get3A_31] {strides = array<i32>} : memref<288xi32, #tpu.memory_space<vmem>>, vector<16xi32>,
    %gather3A_33 = tpu.vector_load_idx %arg6[%get3A_32] : memref<8192xf32, #tpu.memory_space<vmem>>[vector<16xi32>], vector<16xf32>,
    %add3A_34 = arith.addf %add3A_30, %gather3A_33 : vector<16xf32>
    %get3A_35 = arith.constant 144 : index
    %get3A_36 = tpu.vector_load %arg8[%get3A_35] {strides = array<i32>} : memref<288xi32, #tpu.memory_space<vmem>>, vector<16xi32>,
    %gather3A_37 = tpu.vector_load_idx %arg6[%get3A_36] : memref<8192xf32, #tpu.memory_space<vmem>>[vector<16xi32>], vector<16xf32>,
    %add3A_38 = arith.addf %add3A_34, %gather3A_37 : vector<16xf32>
    %get3A_39 = arith.constant 216 : index
    %get3A_40 = tpu.vector_load %arg8[%get3A_39] {strides = array<i32>} : memref<288xi32, #tpu.memory_space<vmem>>, vector<16xi32>,
    %gather3A_41 = tpu.vector_load_idx %arg6[%get3A_40] : memref<8192xf32, #tpu.memory_space<vmem>>[vector<16xi32>], vector<16xf32>,
    %add3A_42 = arith.addf %add3A_38, %gather3A_41 : vector<16xf32>
    %swap3A = arith.constant 0 : index
    %swap3A_43 = tpu.vector_load %arg9[%swap3A] {strides = array<i32>} : memref<72xf32, #tpu.memory_space<vmem>>, vector<16xf32>,
    tpu.vector_store %arg9[%swap3A], %add3A_42 {strides = array<i32>} : memref<72xf32, #tpu.memory_space<vmem>>, vector<16xf32>,
    %get3A_44 = arith.constant 16 : index
    %get3A_45 = tpu.vector_load %arg7[%get3A_44] {strides = array<i32>} : memref<72xf32, #tpu.memory_space<vmem>>, vector<16xf32>,
    %get3A_46 = arith.constant 16 : index
    %get3A_47 = tpu.vector_load %arg8[%get3A_46] {strides = array<i32>} : memref<288xi32, #tpu.memory_space<vmem>>, vector<16xi32>,
    %gather3A_48 = tpu.vector_load_idx %arg6[%get3A_47] : memref<8192xf32, #tpu.memory_space<vmem>>[vector<16xi32>], vector<16xf32>,
    %add3A_49 = arith.addf %get3A_45, %gather3A_48 : vector<16xf32>
    %get3A_50 = arith.constant 88 : index
    %get3A_51 = tpu.vector_load %arg8[%get3A_50] {strides = array<i32>} : memref<288xi32, #tpu.memory_space<vmem>>, vector<16xi32>,
    %gather3A_52 = tpu.vector_load_idx %arg6[%get3A_51] : memref<8192xf32, #tpu.memory_space<vmem>>[vector<16xi32>], vector<16xf32>,
    %add3A_53 = arith.addf %add3A_49, %gather3A_52 : vector<16xf32>
    %get3A_54 = arith.constant 160 : index
    %get3A_55 = tpu.vector_load %arg8[%get3A_54] {strides = array<i32>} : memref<288xi32, #tpu.memory_space<vmem>>, vector<16xi32>,
    %gather3A_56 = tpu.vector_load_idx %arg6[%get3A_55] : memref<8192xf32, #tpu.memory_space<vmem>>[vector<16xi32>], vector<16xf32>,
    %add3A_57 = arith.addf %add3A_53, %gather3A_56 : vector<16xf32>
    %get3A_58 = arith.constant 232 : index
    %get3A_59 = tpu.vector_load %arg8[%get3A_58] {strides = array<i32>} : memref<288xi32, #tpu.memory_space<vmem>>, vector<16xi32>,
    %gather3A_60 = tpu.vector_load_idx %arg6[%get3A_59] : memref<8192xf32, #tpu.memory_space<vmem>>[vector<16xi32>], vector<16xf32>,
    %add3A_61 = arith.addf %add3A_57, %gather3A_60 : vector<16xf32>
    %swap3A_62 = arith.constant 16 : index
    %swap3A_63 = tpu.vector_load %arg9[%swap3A_62] {strides = array<i32>} : memref<72xf32, #tpu.memory_space<vmem>>, vector<16xf32>,
    tpu.vector_store %arg9[%swap3A_62], %add3A_61 {strides = array<i32>} : memref<72xf32, #tpu.memory_space<vmem>>, vector<16xf32>,
    %get3A_64 = arith.constant 32 : index
    %get3A_65 = tpu.vector_load %arg7[%get3A_64] {strides = array<i32>} : memref<72xf32, #tpu.memory_space<vmem>>, vector<16xf32>,
    %get3A_66 = arith.constant 32 : index
    %get3A_67 = tpu.vector_load %arg8[%get3A_66] {strides = array<i32>} : memref<288xi32, #tpu.memory_space<vmem>>, vector<16xi32>,
    %gather3A_68 = tpu.vector_load_idx %arg6[%get3A_67] : memref<8192xf32, #tpu.memory_space<vmem>>[vector<16xi32>], vector<16xf32>,
    %add3A_69 = arith.addf %get3A_65, %gather3A_68 : vector<16xf32>
    %get3A_70 = arith.constant 104 : index
    %get3A_71 = tpu.vector_load %arg8[%get3A_70] {strides = array<i32>} : memref<288xi32, #tpu.memory_space<vmem>>, vector<16xi32>,
    %gather3A_72 = tpu.vector_load_idx %arg6[%get3A_71] : memref<8192xf32, #tpu.memory_space<vmem>>[vector<16xi32>], vector<16xf32>,
    %add3A_73 = arith.addf %add3A_69, %gather3A_72 : vector<16xf32>
    %get3A_74 = arith.constant 176 : index
    %get3A_75 = tpu.vector_load %arg8[%get3A_74] {strides = array<i32>} : memref<288xi32, #tpu.memory_space<vmem>>, vector<16xi32>,
    %gather3A_76 = tpu.vector_load_idx %arg6[%get3A_75] : memref<8192xf32, #tpu.memory_space<vmem>>[vector<16xi32>], vector<16xf32>,
    %add3A_77 = arith.addf %add3A_73, %gather3A_76 : vector<16xf32>
    %get3A_78 = arith.constant 248 : index
    %get3A_79 = tpu.vector_load %arg8[%get3A_78] {strides = array<i32>} : memref<288xi32, #tpu.memory_space<vmem>>, vector<16xi32>,
    %gather3A_80 = tpu.vector_load_idx %arg6[%get3A_79] : memref<8192xf32, #tpu.memory_space<vmem>>[vector<16xi32>], vector<16xf32>,
    %add3A_81 = arith.addf %add3A_77, %gather3A_80 : vector<16xf32>
    %swap3A_82 = arith.constant 32 : index
    %swap3A_83 = tpu.vector_load %arg9[%swap3A_82] {strides = array<i32>} : memref<72xf32, #tpu.memory_space<vmem>>, vector<16xf32>,
    tpu.vector_store %arg9[%swap3A_82], %add3A_81 {strides = array<i32>} : memref<72xf32, #tpu.memory_space<vmem>>, vector<16xf32>,
    %get3A_84 = arith.constant 48 : index
    %get3A_85 = tpu.vector_load %arg7[%get3A_84] {strides = array<i32>} : memref<72xf32, #tpu.memory_space<vmem>>, vector<16xf32>,
    %get3A_86 = arith.constant 48 : index
    %get3A_87 = tpu.vector_load %arg8[%get3A_86] {strides = array<i32>} : memref<288xi32, #tpu.memory_space<vmem>>, vector<16xi32>,
    %gather3A_88 = tpu.vector_load_idx %arg6[%get3A_87] : memref<8192xf32, #tpu.memory_space<vmem>>[vector<16xi32>], vector<16xf32>,
    %add3A_89 = arith.addf %get3A_85, %gather3A_88 : vector<16xf32>
    %get3A_90 = arith.constant 120 : index
    %get3A_91 = tpu.vector_load %arg8[%get3A_90] {strides = array<i32>} : memref<288xi32, #tpu.memory_space<vmem>>, vector<16xi32>,
    %gather3A_92 = tpu.vector_load_idx %arg6[%get3A_91] : memref<8192xf32, #tpu.memory_space<vmem>>[vector<16xi32>], vector<16xf32>,
    %add3A_93 = arith.addf %add3A_89, %gather3A_92 : vector<16xf32>
    %get3A_94 = arith.constant 192 : index
    %get3A_95 = tpu.vector_load %arg8[%get3A_94] {strides = array<i32>} : memref<288xi32, #tpu.memory_space<vmem>>, vector<16xi32>,
    %gather3A_96 = tpu.vector_load_idx %arg6[%get3A_95] : memref<8192xf32, #tpu.memory_space<vmem>>[vector<16xi32>], vector<16xf32>,
    %add3A_97 = arith.addf %add3A_93, %gather3A_96 : vector<16xf32>
    %get3A_98 = arith.constant 264 : index
    %get3A_99 = tpu.vector_load %arg8[%get3A_98] {strides = array<i32>} : memref<288xi32, #tpu.memory_space<vmem>>, vector<16xi32>,
    %gather3A_100 = tpu.vector_load_idx %arg6[%get3A_99] : memref<8192xf32, #tpu.memory_space<vmem>>[vector<16xi32>], vector<16xf32>,
    %add3A_101 = arith.addf %add3A_97, %gather3A_100 : vector<16xf32>
    %swap3A_102 = arith.constant 48 : index
    %swap3A_103 = tpu.vector_load %arg9[%swap3A_102] {strides = array<i32>} : memref<72xf32, #tpu.memory_space<vmem>>, vector<16xf32>,
    tpu.vector_store %arg9[%swap3A_102], %add3A_101 {strides = array<i32>} : memref<72xf32, #tpu.memory_space<vmem>>, vector<16xf32>,
    %get3A_104 = arith.constant 56 : index
    %get3A_105 = tpu.vector_load %arg7[%get3A_104] {strides = array<i32>} : memref<72xf32, #tpu.memory_space<vmem>>, vector<16xf32>,
    %get3A_106 = arith.constant 56 : index
    %get3A_107 = tpu.vector_load %arg8[%get3A_106] {strides = array<i32>} : memref<288xi32, #tpu.memory_space<vmem>>, vector<16xi32>,
    %gather3A_108 = tpu.vector_load_idx %arg6[%get3A_107] : memref<8192xf32, #tpu.memory_space<vmem>>[vector<16xi32>], vector<16xf32>,
    %add3A_109 = arith.addf %get3A_105, %gather3A_108 : vector<16xf32>
    %get3A_110 = arith.constant 128 : index
    %get3A_111 = tpu.vector_load %arg8[%get3A_110] {strides = array<i32>} : memref<288xi32, #tpu.memory_space<vmem>>, vector<16xi32>,
    %gather3A_112 = tpu.vector_load_idx %arg6[%get3A_111] : memref<8192xf32, #tpu.memory_space<vmem>>[vector<16xi32>], vector<16xf32>,
    %add3A_113 = arith.addf %add3A_109, %gather3A_112 : vector<16xf32>
    %get3A_114 = arith.constant 200 : index
    %get3A_115 = tpu.vector_load %arg8[%get3A_114] {strides = array<i32>} : memref<288xi32, #tpu.memory_space<vmem>>, vector<16xi32>,
    %gather3A_116 = tpu.vector_load_idx %arg6[%get3A_115] : memref<8192xf32, #tpu.memory_space<vmem>>[vector<16xi32>], vector<16xf32>,
    %add3A_117 = arith.addf %add3A_113, %gather3A_116 : vector<16xf32>
    %get3A_118 = arith.constant 272 : index
    %get3A_119 = tpu.vector_load %arg8[%get3A_118] {strides = array<i32>} : memref<288xi32, #tpu.memory_space<vmem>>, vector<16xi32>,
    %gather3A_120 = tpu.vector_load_idx %arg6[%get3A_119] : memref<8192xf32, #tpu.memory_space<vmem>>[vector<16xi32>], vector<16xf32>,
    %add3A_121 = arith.addf %add3A_117, %gather3A_120 : vector<16xf32>
    %swap3A_122 = arith.constant 56 : index
    %swap3A_123 = tpu.vector_load %arg9[%swap3A_122] {strides = array<i32>} : memref<72xf32, #tpu.memory_space<vmem>>, vector<16xf32>,
    tpu.vector_store %arg9[%swap3A_122], %add3A_121 {strides = array<i32>} : memref<72xf32, #tpu.memory_space<vmem>>, vector<16xf32>,
    "tpu.region"() ({
      %run_scoped3A = tpu.sem_alloc : memref<!tpu.dma_semaphore, #tpu.memory_space<semaphore_mem>>
      %dma_start3A = tpu.memref_slice %arg5[%mul3A_2] : memref<2304xf32, #tpu.memory_space<hbm>> -> memref<72xf32, #tpu.memory_space<hbm>>
      %dma_start3A_124 = tpu.memref_slice %arg5[%mul3A_2] : memref<2304xf32, #tpu.memory_space<hbm>> -> memref<72xf32, #tpu.memory_space<hbm>>
      tpu.enqueue_dma source(%arg9 : memref<72xf32, #tpu.memory_space<vmem>>) target(%dma_start3A_124 : memref<72xf32, #tpu.memory_space<hbm>>) target_semaphore(%run_scoped3A : memref<!tpu.dma_semaphore, #tpu.memory_space<semaphore_mem>>)
      %dma_wait3A = tpu.memref_slice %arg5[%mul3A_2] : memref<2304xf32, #tpu.memory_space<hbm>> -> memref<72xf32, #tpu.memory_space<hbm>>
      %dma_wait3A_125 = tpu.memref_slice %arg5[%mul3A_2] : memref<2304xf32, #tpu.memory_space<hbm>> -> memref<72xf32, #tpu.memory_space<hbm>>
      tpu.wait_dma2 semaphore(%run_scoped3A : memref<!tpu.dma_semaphore, #tpu.memory_space<semaphore_mem>>) src(%arg9 : memref<72xf32, #tpu.memory_space<vmem>>) dst(%dma_wait3A_125 : memref<72xf32, #tpu.memory_space<hbm>>)
      tpu.yield
    }) : () -> ()
    return
  }
}

module attributes {stable_mosaic.version = 14 : i64} {
  func.func @_score_kernel(%arg0: i32, %arg1: memref<1x576x64xf32, #tpu.memory_space<vmem>>, %arg2: memref<8192x64xf32, #tpu.memory_space<vmem>>, %arg3: memref<1x576x1xf32, #tpu.memory_space<vmem>>, %arg4: memref<1x576x1xi32, #tpu.memory_space<vmem>>, %arg5: memref<8192x1xf32, #tpu.memory_space<vmem>>) attributes {dimension_semantics = [#tpu.dimension_semantics<arbitrary>], iteration_bounds = array<i64: 16>, scalar_prefetch = 0 : i64, scratch_operands = 0 : i64, tpu.core_type = #tpu.core_type<tc>, window_params = [{transform_indices = @transform_0, window_bounds = array<i64: 1, 576, 64>}, {pipeline_mode = #tpu.pipeline_mode<synchronous>, transform_indices = @transform_1, window_bounds = array<i64: 8192, 64>}, {transform_indices = @transform_2, window_bounds = array<i64: 1, 576, 1>}, {transform_indices = @transform_3, window_bounds = array<i64: 1, 576, 1>}, {pipeline_mode = #tpu.pipeline_mode<synchronous>, transform_indices = @transform_4, window_bounds = array<i64: 8192, 1>}]} {
    %eq3A = arith.constant 0 : i32
    %eq3A_0 = arith.cmpi eq, %arg0, %eq3A : i32
    %convert_element_type3A = arith.extui %eq3A_0 : i1 to i32
    %cond3A = arith.constant 0 : i32
    %cond3A_1 = arith.cmpi ne, %convert_element_type3A, %cond3A : i32
    scf.if %cond3A_1 {
      %get3A_158 = arith.constant 0 : index
      %get3A_159 = arith.constant 0 : index
      %get3A_160 = vector.load %arg2[%get3A_158, %get3A_159] : memref<8192x64xf32, #tpu.memory_space<vmem>>, vector<8192x64xf32>
      %mul3A_161 = arith.mulf %get3A_160, %get3A_160 : vector<8192x64xf32>
      %reduce_sum3A_162 = arith.constant dense<0.000000e+00> : vector<8192xf32>
      %reduce_sum3A_163 = vector.multi_reduction <add>, %mul3A_161, %reduce_sum3A_162 [1] : vector<8192x64xf32> to vector<8192xf32>
      %broadcast_in_dim3A_164 = vector.shape_cast %reduce_sum3A_163 : vector<8192xf32> to vector<8192x1xf32>
      %swap3A_165 = arith.constant 0 : index
      %swap3A_166 = arith.constant 0 : index
      %swap3A_167 = vector.load %arg5[%swap3A_165, %swap3A_166] : memref<8192x1xf32, #tpu.memory_space<vmem>>, vector<8192x1xf32>
      tpu.vector_store %arg5[%swap3A_165, %swap3A_166], %broadcast_in_dim3A_164 {strides = array<i32>} : memref<8192x1xf32, #tpu.memory_space<vmem>>, vector<8192x1xf32>,
    } else {
    }
    %get3A = arith.constant 0 : index
    %get3A_2 = arith.constant 0 : index
    %get3A_3 = arith.constant 0 : index
    %get3A_4 = vector.load %arg1[%get3A, %get3A_2, %get3A_3] : memref<1x576x64xf32, #tpu.memory_space<vmem>>, vector<1x576x64xf32>
    %get3A_5 = vector.shape_cast %get3A_4 : vector<1x576x64xf32> to vector<576x64xf32>
    %mul3A = arith.mulf %get3A_5, %get3A_5 : vector<576x64xf32>
    %reduce_sum3A = arith.constant dense<0.000000e+00> : vector<576xf32>
    %reduce_sum3A_6 = vector.multi_reduction <add>, %mul3A, %reduce_sum3A [1] : vector<576x64xf32> to vector<576xf32>
    %broadcast_in_dim3A = vector.shape_cast %reduce_sum3A_6 : vector<576xf32> to vector<576x1xf32>
    %get3A_7 = arith.constant 0 : index
    %get3A_8 = arith.constant 0 : index
    %get3A_9 = vector.load %arg2[%get3A_7, %get3A_8] : memref<8192x64xf32, #tpu.memory_space<vmem>>, vector<2048x64xf32>
    %dot_general3A = arith.constant dense<0.000000e+00> : vector<576x2048xf32>
    %dot_general3A_10 = tpu.matmul %get3A_5, %get3A_9, %dot_general3A {dimension_numbers = #tpu.dot_dimension_numbers<[1], [1], [0], [0], [0, 0, 1, 0], [], []>, transpose_lhs_hint = false} : vector<576x64xf32>, vector<2048x64xf32>, vector<576x2048xf32> -> vector<576x2048xf32>
    %iota3A = tpu.iota {dimensions = array<i32: 1>} : vector<1x2048xi32>
    %convert_element_type3A_11 = arith.sitofp %iota3A : vector<1x2048xi32> to vector<1x2048xf32>
    %add3A = arith.constant 0.000000e+00 : f32
    %add3A_12 = vector.broadcast %add3A : f32 to vector<1x2048xf32>
    %add3A_13 = arith.addf %convert_element_type3A_11, %add3A_12 : vector<1x2048xf32>
    %reduce_max3A = arith.constant dense<0xFF800000> : vector<576xf32>
    %reduce_max3A_14 = vector.multi_reduction <maximumf>, %dot_general3A_10, %reduce_max3A [1] : vector<576x2048xf32> to vector<576xf32>
    %broadcast_in_dim3A_15 = vector.shape_cast %reduce_max3A_14 : vector<576xf32> to vector<576x1xf32>
    %eq3A_16 = vector.broadcast %broadcast_in_dim3A_15 : vector<576x1xf32> to vector<576x2048xf32>
    %eq3A_17 = arith.cmpf oeq, %dot_general3A_10, %eq3A_16 : vector<576x2048xf32>
    %jit3A = arith.constant 8.192000e+03 : f32
    %broadcast_in_dim3A_18 = vector.shape_cast %add3A_13 : vector<1x2048xf32> to vector<1x2048xf32>
    %broadcast_in_dim3A_19 = vector.broadcast %broadcast_in_dim3A_18 : vector<1x2048xf32> to vector<576x2048xf32>
    %broadcast_in_dim3A_20 = vector.broadcast %jit3A : f32 to vector<576x2048xf32>
    %select_n3A = arith.select %eq3A_17, %broadcast_in_dim3A_19, %broadcast_in_dim3A_20 : vector<576x2048xi1>, vector<576x2048xf32>
    %reduce_min3A = arith.constant dense<0x7F800000> : vector<576xf32>
    %reduce_min3A_21 = vector.multi_reduction <minimumf>, %select_n3A, %reduce_min3A [1] : vector<576x2048xf32> to vector<576xf32>
    %broadcast_in_dim3A_22 = vector.shape_cast %reduce_min3A_21 : vector<576xf32> to vector<576x1xf32>
    %get3A_23 = arith.constant 2048 : index
    %get3A_24 = arith.constant 0 : index
    %get3A_25 = vector.load %arg2[%get3A_23, %get3A_24] : memref<8192x64xf32, #tpu.memory_space<vmem>>, vector<2048x64xf32>
    %dot_general3A_26 = arith.constant dense<0.000000e+00> : vector<576x2048xf32>
    %dot_general3A_27 = tpu.matmul %get3A_5, %get3A_25, %dot_general3A_26 {dimension_numbers = #tpu.dot_dimension_numbers<[1], [1], [0], [0], [0, 0, 1, 0], [], []>, transpose_lhs_hint = false} : vector<576x64xf32>, vector<2048x64xf32>, vector<576x2048xf32> -> vector<576x2048xf32>
    %iota3A_28 = tpu.iota {dimensions = array<i32: 1>} : vector<1x2048xi32>
    %convert_element_type3A_29 = arith.sitofp %iota3A_28 : vector<1x2048xi32> to vector<1x2048xf32>
    %add3A_30 = arith.constant 2.048000e+03 : f32
    %add3A_31 = vector.broadcast %add3A_30 : f32 to vector<1x2048xf32>
    %add3A_32 = arith.addf %convert_element_type3A_29, %add3A_31 : vector<1x2048xf32>
    %reduce_max3A_33 = arith.constant dense<0xFF800000> : vector<576xf32>
    %reduce_max3A_34 = vector.multi_reduction <maximumf>, %dot_general3A_27, %reduce_max3A_33 [1] : vector<576x2048xf32> to vector<576xf32>
    %broadcast_in_dim3A_35 = vector.shape_cast %reduce_max3A_34 : vector<576xf32> to vector<576x1xf32>
    %eq3A_36 = vector.broadcast %broadcast_in_dim3A_35 : vector<576x1xf32> to vector<576x2048xf32>
    %eq3A_37 = arith.cmpf oeq, %dot_general3A_27, %eq3A_36 : vector<576x2048xf32>
    %jit3A_38 = arith.constant 8.192000e+03 : f32
    %broadcast_in_dim3A_39 = vector.shape_cast %add3A_32 : vector<1x2048xf32> to vector<1x2048xf32>
    %broadcast_in_dim3A_40 = vector.broadcast %broadcast_in_dim3A_39 : vector<1x2048xf32> to vector<576x2048xf32>
    %broadcast_in_dim3A_41 = vector.broadcast %jit3A_38 : f32 to vector<576x2048xf32>
    %select_n3A_42 = arith.select %eq3A_37, %broadcast_in_dim3A_40, %broadcast_in_dim3A_41 : vector<576x2048xi1>, vector<576x2048xf32>
    %reduce_min3A_43 = arith.constant dense<0x7F800000> : vector<576xf32>
    %reduce_min3A_44 = vector.multi_reduction <minimumf>, %select_n3A_42, %reduce_min3A_43 [1] : vector<576x2048xf32> to vector<576xf32>
    %broadcast_in_dim3A_45 = vector.shape_cast %reduce_min3A_44 : vector<576xf32> to vector<576x1xf32>
    %gt3A = arith.cmpf ogt, %broadcast_in_dim3A_35, %broadcast_in_dim3A_15 : vector<576x1xf32>
    %eq3A_46 = arith.cmpf oeq, %broadcast_in_dim3A_35, %broadcast_in_dim3A_15 : vector<576x1xf32>
    %lt3A = arith.cmpf olt, %broadcast_in_dim3A_45, %broadcast_in_dim3A_22 : vector<576x1xf32>
    %and3A = arith.andi %eq3A_46, %lt3A : vector<576x1xi1>
    %or3A = arith.ori %gt3A, %and3A : vector<576x1xi1>
    %select_n3A_47 = arith.select %or3A, %broadcast_in_dim3A_35, %broadcast_in_dim3A_15 : vector<576x1xi1>, vector<576x1xf32>
    %select_n3A_48 = arith.select %or3A, %broadcast_in_dim3A_45, %broadcast_in_dim3A_22 : vector<576x1xi1>, vector<576x1xf32>
    %get3A_49 = arith.constant 4096 : index
    %get3A_50 = arith.constant 0 : index
    %get3A_51 = vector.load %arg2[%get3A_49, %get3A_50] : memref<8192x64xf32, #tpu.memory_space<vmem>>, vector<2048x64xf32>
    %dot_general3A_52 = arith.constant dense<0.000000e+00> : vector<576x2048xf32>
    %dot_general3A_53 = tpu.matmul %get3A_5, %get3A_51, %dot_general3A_52 {dimension_numbers = #tpu.dot_dimension_numbers<[1], [1], [0], [0], [0, 0, 1, 0], [], []>, transpose_lhs_hint = false} : vector<576x64xf32>, vector<2048x64xf32>, vector<576x2048xf32> -> vector<576x2048xf32>
    %iota3A_54 = tpu.iota {dimensions = array<i32: 1>} : vector<1x2048xi32>
    %convert_element_type3A_55 = arith.sitofp %iota3A_54 : vector<1x2048xi32> to vector<1x2048xf32>
    %add3A_56 = arith.constant 4.096000e+03 : f32
    %add3A_57 = vector.broadcast %add3A_56 : f32 to vector<1x2048xf32>
    %add3A_58 = arith.addf %convert_element_type3A_55, %add3A_57 : vector<1x2048xf32>
    %reduce_max3A_59 = arith.constant dense<0xFF800000> : vector<576xf32>
    %reduce_max3A_60 = vector.multi_reduction <maximumf>, %dot_general3A_53, %reduce_max3A_59 [1] : vector<576x2048xf32> to vector<576xf32>
    %broadcast_in_dim3A_61 = vector.shape_cast %reduce_max3A_60 : vector<576xf32> to vector<576x1xf32>
    %eq3A_62 = vector.broadcast %broadcast_in_dim3A_61 : vector<576x1xf32> to vector<576x2048xf32>
    %eq3A_63 = arith.cmpf oeq, %dot_general3A_53, %eq3A_62 : vector<576x2048xf32>
    %jit3A_64 = arith.constant 8.192000e+03 : f32
    %broadcast_in_dim3A_65 = vector.shape_cast %add3A_58 : vector<1x2048xf32> to vector<1x2048xf32>
    %broadcast_in_dim3A_66 = vector.broadcast %broadcast_in_dim3A_65 : vector<1x2048xf32> to vector<576x2048xf32>
    %broadcast_in_dim3A_67 = vector.broadcast %jit3A_64 : f32 to vector<576x2048xf32>
    %select_n3A_68 = arith.select %eq3A_63, %broadcast_in_dim3A_66, %broadcast_in_dim3A_67 : vector<576x2048xi1>, vector<576x2048xf32>
    %reduce_min3A_69 = arith.constant dense<0x7F800000> : vector<576xf32>
    %reduce_min3A_70 = vector.multi_reduction <minimumf>, %select_n3A_68, %reduce_min3A_69 [1] : vector<576x2048xf32> to vector<576xf32>
    %broadcast_in_dim3A_71 = vector.shape_cast %reduce_min3A_70 : vector<576xf32> to vector<576x1xf32>
    %gt3A_72 = arith.cmpf ogt, %broadcast_in_dim3A_61, %select_n3A_47 : vector<576x1xf32>
    %eq3A_73 = arith.cmpf oeq, %broadcast_in_dim3A_61, %select_n3A_47 : vector<576x1xf32>
    %lt3A_74 = arith.cmpf olt, %broadcast_in_dim3A_71, %select_n3A_48 : vector<576x1xf32>
    %and3A_75 = arith.andi %eq3A_73, %lt3A_74 : vector<576x1xi1>
    %or3A_76 = arith.ori %gt3A_72, %and3A_75 : vector<576x1xi1>
    %select_n3A_77 = arith.select %or3A_76, %broadcast_in_dim3A_61, %select_n3A_47 : vector<576x1xi1>, vector<576x1xf32>
    %select_n3A_78 = arith.select %or3A_76, %broadcast_in_dim3A_71, %select_n3A_48 : vector<576x1xi1>, vector<576x1xf32>
    %get3A_79 = arith.constant 6144 : index
    %get3A_80 = arith.constant 0 : index
    %get3A_81 = vector.load %arg2[%get3A_79, %get3A_80] : memref<8192x64xf32, #tpu.memory_space<vmem>>, vector<2048x64xf32>
    %dot_general3A_82 = arith.constant dense<0.000000e+00> : vector<576x2048xf32>
    %dot_general3A_83 = tpu.matmul %get3A_5, %get3A_81, %dot_general3A_82 {dimension_numbers = #tpu.dot_dimension_numbers<[1], [1], [0], [0], [0, 0, 1, 0], [], []>, transpose_lhs_hint = false} : vector<576x64xf32>, vector<2048x64xf32>, vector<576x2048xf32> -> vector<576x2048xf32>
    %iota3A_84 = tpu.iota {dimensions = array<i32: 1>} : vector<1x2048xi32>
    %convert_element_type3A_85 = arith.sitofp %iota3A_84 : vector<1x2048xi32> to vector<1x2048xf32>
    %add3A_86 = arith.constant 6.144000e+03 : f32
    %add3A_87 = vector.broadcast %add3A_86 : f32 to vector<1x2048xf32>
    %add3A_88 = arith.addf %convert_element_type3A_85, %add3A_87 : vector<1x2048xf32>
    %reduce_max3A_89 = arith.constant dense<0xFF800000> : vector<576xf32>
    %reduce_max3A_90 = vector.multi_reduction <maximumf>, %dot_general3A_83, %reduce_max3A_89 [1] : vector<576x2048xf32> to vector<576xf32>
    %broadcast_in_dim3A_91 = vector.shape_cast %reduce_max3A_90 : vector<576xf32> to vector<576x1xf32>
    %eq3A_92 = vector.broadcast %broadcast_in_dim3A_91 : vector<576x1xf32> to vector<576x2048xf32>
    %eq3A_93 = arith.cmpf oeq, %dot_general3A_83, %eq3A_92 : vector<576x2048xf32>
    %jit3A_94 = arith.constant 8.192000e+03 : f32
    %broadcast_in_dim3A_95 = vector.shape_cast %add3A_88 : vector<1x2048xf32> to vector<1x2048xf32>
    %broadcast_in_dim3A_96 = vector.broadcast %broadcast_in_dim3A_95 : vector<1x2048xf32> to vector<576x2048xf32>
    %broadcast_in_dim3A_97 = vector.broadcast %jit3A_94 : f32 to vector<576x2048xf32>
    %select_n3A_98 = arith.select %eq3A_93, %broadcast_in_dim3A_96, %broadcast_in_dim3A_97 : vector<576x2048xi1>, vector<576x2048xf32>
    %reduce_min3A_99 = arith.constant dense<0x7F800000> : vector<576xf32>
    %reduce_min3A_100 = vector.multi_reduction <minimumf>, %select_n3A_98, %reduce_min3A_99 [1] : vector<576x2048xf32> to vector<576xf32>
    %broadcast_in_dim3A_101 = vector.shape_cast %reduce_min3A_100 : vector<576xf32> to vector<576x1xf32>
    %gt3A_102 = arith.cmpf ogt, %broadcast_in_dim3A_91, %select_n3A_77 : vector<576x1xf32>
    %eq3A_103 = arith.cmpf oeq, %broadcast_in_dim3A_91, %select_n3A_77 : vector<576x1xf32>
    %lt3A_104 = arith.cmpf olt, %broadcast_in_dim3A_101, %select_n3A_78 : vector<576x1xf32>
    %and3A_105 = arith.andi %eq3A_103, %lt3A_104 : vector<576x1xi1>
    %or3A_106 = arith.ori %gt3A_102, %and3A_105 : vector<576x1xi1>
    %select_n3A_107 = arith.select %or3A_106, %broadcast_in_dim3A_91, %select_n3A_77 : vector<576x1xi1>, vector<576x1xf32>
    %select_n3A_108 = arith.select %or3A_106, %broadcast_in_dim3A_101, %select_n3A_78 : vector<576x1xi1>, vector<576x1xf32>
    %mul3A_109 = arith.constant 2.000000e+00 : f32
    %mul3A_110 = vector.broadcast %mul3A_109 : f32 to vector<576x1xf32>
    %mul3A_111 = arith.mulf %mul3A_110, %select_n3A_107 : vector<576x1xf32>
    %sub3A = arith.subf %broadcast_in_dim3A, %mul3A_111 : vector<576x1xf32>
    %convert_element_type3A_112 = arith.fptosi %select_n3A_108 : vector<576x1xf32> to vector<576x1xi32>
    %swap3A = arith.constant 0 : index
    %swap3A_113 = arith.constant 0 : index
    %swap3A_114 = arith.constant 0 : index
    %swap3A_115 = vector.load %arg4[%swap3A, %swap3A_113, %swap3A_114] : memref<1x576x1xi32, #tpu.memory_space<vmem>>, vector<1x576x1xi32>
    %swap3A_116 = vector.shape_cast %swap3A_115 : vector<1x576x1xi32> to vector<576x1xi32>
    %swap3A_117 = vector.shape_cast %convert_element_type3A_112 : vector<576x1xi32> to vector<1x576x1xi32>
    tpu.vector_store %arg4[%swap3A, %swap3A_113, %swap3A_114], %swap3A_117 {strides = array<i32>} : memref<1x576x1xi32, #tpu.memory_space<vmem>>, vector<1x576x1xi32>,
    %jit3A_118 = arith.constant 4 : i32
    %eq3A_119 = arith.constant 0 : i32
    %eq3A_120 = arith.cmpi eq, %jit3A_118, %eq3A_119 : i32
    %jit3A_121 = arith.constant 1 : i32
    %select_n3A_122 = arith.select %eq3A_120, %jit3A_121, %jit3A_118 : i32
    %rem3A = arith.remsi %arg0, %select_n3A_122 : i32
    %ne3A = arith.constant 0 : i32
    %ne3A_123 = arith.cmpi ne, %rem3A, %ne3A : i32
    %lt3A_124 = arith.constant 0 : i32
    %lt3A_125 = arith.cmpi slt, %rem3A, %lt3A_124 : i32
    %lt3A_126 = arith.constant 0 : i32
    %lt3A_127 = arith.cmpi slt, %select_n3A_122, %lt3A_126 : i32
    %ne3A_128 = arith.xori %lt3A_125, %lt3A_127 : i1
    %and3A_129 = arith.andi %ne3A_128, %ne3A_123 : i1
    %add3A_130 = arith.addi %rem3A, %select_n3A_122 : i32
    %select_n3A_131 = arith.select %and3A_129, %add3A_130, %rem3A : i32
    %eq3A_132 = arith.constant 0 : i32
    %eq3A_133 = arith.cmpi eq, %select_n3A_131, %eq3A_132 : i32
    %convert_element_type3A_134 = arith.extui %eq3A_133 : i1 to i32
    %cond3A_135 = arith.constant 0 : i32
    %cond3A_136 = arith.cmpi ne, %convert_element_type3A_134, %cond3A_135 : i32
    scf.if %cond3A_136 {
      %swap3A_158 = arith.constant 0 : index
      %swap3A_159 = arith.constant 0 : index
      %swap3A_160 = arith.constant 0 : index
      %swap3A_161 = vector.load %arg3[%swap3A_158, %swap3A_159, %swap3A_160] : memref<1x576x1xf32, #tpu.memory_space<vmem>>, vector<1x576x1xf32>
      %swap3A_162 = vector.shape_cast %swap3A_161 : vector<1x576x1xf32> to vector<576x1xf32>
      %swap3A_163 = vector.shape_cast %sub3A : vector<576x1xf32> to vector<1x576x1xf32>
      tpu.vector_store %arg3[%swap3A_158, %swap3A_159, %swap3A_160], %swap3A_163 {strides = array<i32>} : memref<1x576x1xf32, #tpu.memory_space<vmem>>, vector<1x576x1xf32>,
    } else {
    }
    %jit3A_137 = arith.constant 4 : i32
    %eq3A_138 = arith.constant 0 : i32
    %eq3A_139 = arith.cmpi eq, %jit3A_137, %eq3A_138 : i32
    %jit3A_140 = arith.constant 1 : i32
    %select_n3A_141 = arith.select %eq3A_139, %jit3A_140, %jit3A_137 : i32
    %rem3A_142 = arith.remsi %arg0, %select_n3A_141 : i32
    %ne3A_143 = arith.constant 0 : i32
    %ne3A_144 = arith.cmpi ne, %rem3A_142, %ne3A_143 : i32
    %lt3A_145 = arith.constant 0 : i32
    %lt3A_146 = arith.cmpi slt, %rem3A_142, %lt3A_145 : i32
    %lt3A_147 = arith.constant 0 : i32
    %lt3A_148 = arith.cmpi slt, %select_n3A_141, %lt3A_147 : i32
    %ne3A_149 = arith.xori %lt3A_146, %lt3A_148 : i1
    %and3A_150 = arith.andi %ne3A_149, %ne3A_144 : i1
    %add3A_151 = arith.addi %rem3A_142, %select_n3A_141 : i32
    %select_n3A_152 = arith.select %and3A_150, %add3A_151, %rem3A_142 : i32
    %ne3A_153 = arith.constant 0 : i32
    %ne3A_154 = arith.cmpi ne, %select_n3A_152, %ne3A_153 : i32
    %convert_element_type3A_155 = arith.extui %ne3A_154 : i1 to i32
    %cond3A_156 = arith.constant 0 : i32
    %cond3A_157 = arith.cmpi ne, %convert_element_type3A_155, %cond3A_156 : i32
    scf.if %cond3A_157 {
      %get3A_158 = arith.constant 0 : index
      %get3A_159 = arith.constant 0 : index
      %get3A_160 = arith.constant 0 : index
      %get3A_161 = vector.load %arg3[%get3A_158, %get3A_159, %get3A_160] : memref<1x576x1xf32, #tpu.memory_space<vmem>>, vector<1x576x1xf32>
      %get3A_162 = vector.shape_cast %get3A_161 : vector<1x576x1xf32> to vector<576x1xf32>
      %add3A_163 = arith.addf %get3A_162, %sub3A : vector<576x1xf32>
      %swap3A_164 = arith.constant 0 : index
      %swap3A_165 = arith.constant 0 : index
      %swap3A_166 = arith.constant 0 : index
      %swap3A_167 = vector.load %arg3[%swap3A_164, %swap3A_165, %swap3A_166] : memref<1x576x1xf32, #tpu.memory_space<vmem>>, vector<1x576x1xf32>
      %swap3A_168 = vector.shape_cast %swap3A_167 : vector<1x576x1xf32> to vector<576x1xf32>
      %swap3A_169 = vector.shape_cast %add3A_163 : vector<576x1xf32> to vector<1x576x1xf32>
      tpu.vector_store %arg3[%swap3A_164, %swap3A_165, %swap3A_166], %swap3A_169 {strides = array<i32>} : memref<1x576x1xf32, #tpu.memory_space<vmem>>, vector<1x576x1xf32>,
    } else {
    }
    return
  }
  func.func @transform_0(%arg0: i32) -> (i32, i32, i32) {
    %c0_i32 = arith.constant 0 : i32
    %c0_i32_0 = arith.constant 0 : i32
    %c0_i32_1 = arith.constant 0 : i32
    return %arg0, %c0_i32, %c0_i32_0 : i32, i32, i32
  }
  func.func @transform_1(%arg0: i32) -> (i32, i32) {
    %c0_i32 = arith.constant 0 : i32
    %c0_i32_0 = arith.constant 0 : i32
    %c0_i32_1 = arith.constant 0 : i32
    return %c0_i32, %c0_i32_0 : i32, i32
  }
  func.func @transform_2(%arg0: i32) -> (i32, i32, i32) {
    %jit3A = arith.constant 4 : i32
    %div3A = arith.divsi %arg0, %jit3A : i32
    %sign3A = arith.constant 0 : i32
    %sign3A_0 = arith.cmpi sgt, %arg0, %sign3A : i32
    %sign3A_1 = arith.extui %sign3A_0 : i1 to i32
    %sign3A_2 = arith.constant 0 : i32
    %sign3A_3 = arith.cmpi slt, %arg0, %sign3A_2 : i32
    %sign3A_4 = arith.extui %sign3A_3 : i1 to i32
    %sign3A_5 = arith.subi %sign3A_1, %sign3A_4 : i32
    %sign3A_6 = arith.constant 0 : i32
    %sign3A_7 = arith.cmpi sgt, %jit3A, %sign3A_6 : i32
    %sign3A_8 = arith.extui %sign3A_7 : i1 to i32
    %sign3A_9 = arith.constant 0 : i32
    %sign3A_10 = arith.cmpi slt, %jit3A, %sign3A_9 : i32
    %sign3A_11 = arith.extui %sign3A_10 : i1 to i32
    %sign3A_12 = arith.subi %sign3A_8, %sign3A_11 : i32
    %ne3A = arith.cmpi ne, %sign3A_5, %sign3A_12 : i32
    %rem3A = arith.remsi %arg0, %jit3A : i32
    %ne3A_13 = arith.constant 0 : i32
    %ne3A_14 = arith.cmpi ne, %rem3A, %ne3A_13 : i32
    %and3A = arith.andi %ne3A, %ne3A_14 : i1
    %sub3A = arith.constant 1 : i32
    %sub3A_15 = arith.subi %div3A, %sub3A : i32
    %select_n3A = arith.select %and3A, %sub3A_15, %div3A : i32
    %c0_i32 = arith.constant 0 : i32
    %c0_i32_16 = arith.constant 0 : i32
    %c0_i32_17 = arith.constant 0 : i32
    return %select_n3A, %c0_i32, %c0_i32_16 : i32, i32, i32
  }
  func.func @transform_3(%arg0: i32) -> (i32, i32, i32) {
    %c0_i32 = arith.constant 0 : i32
    %c0_i32_0 = arith.constant 0 : i32
    %c0_i32_1 = arith.constant 0 : i32
    return %arg0, %c0_i32, %c0_i32_0 : i32, i32, i32
  }
  func.func @transform_4(%arg0: i32) -> (i32, i32) {
    %c0_i32 = arith.constant 0 : i32
    %c0_i32_0 = arith.constant 0 : i32
    %c0_i32_1 = arith.constant 0 : i32
    return %c0_i32, %c0_i32_0 : i32, i32
  }
}

</mosaic_0001>

<sc_bundles>
// kernel: kernel.4.cloned.1.call-start
scs
__scs_entry_jumppad:
0x0: {  	(pc) =	sbr.rel $0x88, $3  }
0x1: {  	(tag) =	ssettag $0x0;
	lr =	simm.s32 $0x1  }
0x2: {  	[smem:$0x3F9F] =	sst lr;
	_ =	strace $0xD0000000  }
0x3: {  	_ = 	snop  }
0x4: {  	_ = 	snop  }
0x5: {  	_ = 	snop  }
0x6: {  	_ = 	snop  }
0x7: {  	_ = 	snop  }
__scs_overlays_trampoline_lowered:
0x8: {  	[smem:$0x3FAE] =	sst s0  }
0x9: {  	[smem:$0x3FAF] =	sst s1  }
0xa: {  	[smem:$0x3FB0] =	sst s2  }
0xb: {  	[smem:$0x3FB1] =	sst s3  }
0xc: {  	[smem:$0x3FB2] =	sst s4  }
0xd: {  	[smem:$0x3FB3] =	sst s5  }
0xe: {  	[smem:$0x3FB4] =	sst s6  }
0xf: {  	[smem:$0x3FB5] =	sst s7  }
0x10: {  	[smem:$0x3FB6] =	sst s8  }
0x11: {  	[smem:$0x3FB7] =	sst s9;
	s0 =	simm.s32 @!p0 $0x0  }
0x12: {  	s1 =	sld [smem:$0x3F9D];
	s0 =	simm.s32 @p0 $0x1  }
0x13: {  	[smem:$0x3FB8] =	sst s0;
	s0 =	simm.s32 @!p1 $0x0  }
0x14: {  	s2 =	sld [smem:$0x3F9C];
	s0 =	simm.s32 @p1 $0x1  }
0x15: {  	[smem:$0x3FB9] =	sst s0;
	s0 =	simm.s32 @!p2 $0x0  }
0x16: {  	s3 =	sld [smem:$0x3FDB];
	s0 =	simm.s32 @p2 $0x1  }
0x17: {  	s4 =	simm.s32 $0x1BF5;
	[smem:$0x3FBB] =	sst s0  }
0x18: {  	s0 =	sld [smem:$0x3F9E];
	_ =	swait.ge [sflag:s4], $0x0  }
0x19: {  	s7 =	sld [smem:$0x3F9F]  }
0x1a: {  	s8 =	sadd.s32 $0xFFFFE003, lr  }
0x1b: {  	s9 =	sadd.s32 $0xFFFFFEF7, lr;
	s5 =	simm.s32 $0xFFFFFFFF;
	p2 =	slt.u32 s8, $0xFFFFF086  }
0x1c: {  	p1 =	slt.u32 s9, $0xF7A;
	s5 =	simm.s32 @!p2 $0x0  }
0x1d: {  	s5 =	simm.s32 @p1 $0x1;
	p0 =	seq.s32 s7, s2  }
0x1e: {  	s7 =	smul.u32 @!p0 $0xF7A, s2;
	p2 =	seq.s32 @!p0 s5, $0x0  }
0x1f: {  	s9 =	smul.u32 $0xF7A, s1;
	s8 =	simm.s32 @!p0 $0x1BF5;
	p2 =	por !p2, p0  }
0x20: {  	[sflag:s8] =	ssyncset.s32 @!p0 $0xFFFFF086;
	s6 =	sadd.s32 @!p0 s3, s7;
	s7 =	simm.s32 @!p0 $0x108  }
0x21: {  	s3 =	sadd.s32 s3, s9;
	s6 =	sadd.s32 @!p0 $0x88, s6;
	s7 =	simm.s32 @p2 $0x1082  }
0x22: {  	[simem:s7], [sflag:s8] =	dma.local @!p0 [hbm:s6], $0xF7A  }
0x23: {  	s9 =	sor.u32 $0xD0000000, s2;
	s6 =	simm.s32 $0x108;
	_ =	swait.ge @!p0 [sflag:s8], $0x0  }
0x24: {  	s3 =	sadd.s32 $0x88, s3;
	s6 =	simm.s32 @!p1 $0x1082;
	[sflag:s4] =	ssyncset.s32 $0xFFFFF086  }
0x25: {  	[simem:s6], [sflag:s4] =	dma.local [hbm:s3], $0xF7A  }
0x26: {  	[smem:$0x3F9F] =	sst s1;
	(tag) =	ssettag s2;
	_ =	strace s9  }
0x27: {  	s1 =	sld [smem:$0x3FAF]  }
0x28: {  	s2 =	sld [smem:$0x3FB0]  }
0x29: {  	s4 =	sld [smem:$0x3FB2]  }
0x2a: {  	p0 =	seq.s32 s5, $0x0;
	s5 =	sld [smem:$0x3FB3]  }
0x2b: {  	s6 =	sld [smem:$0x3FB4]  }
0x2c: {  	s7 =	sld [smem:$0x3FB5]  }
0x2d: {  	s3 =	simm.s32 $0x108;
	s8 =	sld [smem:$0x3FB6]  }
0x2e: {  	s3 =	simm.s32 @!p0 $0x1082;
	s9 =	sld [smem:$0x3FB7]  }
0x2f: {  	lr =	sadd.s32 s0, s3;
	s0 =	sld [smem:$0x3FAE]  }
0x30: {  	s3 =	sld [smem:$0x3FB1]  }
0x31: {  	[smem:$0x3FBA] =	sst s10  }
0x32: {  	s10 =	sld [smem:$0x3FB8];
	_ =	sdelay $0x3  }
0x33: {  	p0 =	seq.s32 s10, $0x1;
	s10 =	sld [smem:$0x3FBA];
	_ =	sdelay $0x3  }
0x34: {  	[smem:$0x3FBA] =	sst s10  }
0x35: {  	s10 =	sld [smem:$0x3FB9];
	_ =	sdelay $0x3  }
0x36: {  	p1 =	seq.s32 s10, $0x1;
	s10 =	sld [smem:$0x3FBA];
	_ =	sdelay $0x3  }
0x37: {  	[smem:$0x3FBA] =	sst s10  }
0x38: {  	s10 =	sld [smem:$0x3FBB]  }
0x39: {  	_ = 	snop;
	(pc) =	sbr.ind lr, $3  }
0x3a: {  	_ = 	snop  }
0x3b: {  	_ = 	snop  }
0x3c: {  	p2 =	seq.s32 s10, $0x1;
	s10 =	sld [smem:$0x3FBA]  }
0x3d: {  	_ =	shalt  }
0x3e: {  	_ =	shalt  }
0x3f: {  	_ =	shalt  }
0x40: {  	_ =	shalt  }
0x41: {  	_ =	shalt  }
0x42: {  	_ =	shalt  }
0x43: {  	_ =	shalt  }
0x44: {  	_ =	shalt  }
0x45: {  	_ =	shalt  }
0x46: {  	_ =	shalt  }
0x47: {  	_ =	shalt  }
0x48: {  	_ =	shalt  }
0x49: {  	_ =	shalt  }
0x4a: {  	_ =	shalt  }
0x4b: {  	_ =	shalt  }
0x4c: {  	_ =	shalt  }
0x4d: {  	_ =	shalt  }
0x4e: {  	_ =	shalt  }
0x4f: {  	_ =	shalt  }
0x50: {  	_ =	shalt  }
0x51: {  	_ =	shalt  }
0x52: {  	_ =	shalt  }
0x53: {  	_ =	shalt  }
0x54: {  	_ =	shalt  }
0x55: {  	_ =	shalt  }
0x56: {  	_ =	shalt  }
0x57: {  	_ =	shalt  }
0x58: {  	_ =	shalt  }
0x59: {  	_ =	shalt  }
0x5a: {  	_ =	shalt  }
0x5b: {  	_ =	shalt  }
0x5c: {  	_ =	shalt  }
0x5d: {  	_ =	shalt  }
0x5e: {  	_ =	shalt  }
0x5f: {  	_ =	shalt  }
0x60: {  	_ =	shalt  }
0x61: {  	_ =	shalt  }
0x62: {  	_ =	shalt  }
0x63: {  	_ =	shalt  }
0x64: {  	_ =	shalt  }
0x65: {  	_ =	shalt  }
0x66: {  	_ =	shalt  }
0x67: {  	_ =	shalt  }
0x68: {  	_ =	shalt  }
0x69: {  	_ =	shalt  }
0x6a: {  	_ =	shalt  }
0x6b: {  	_ =	shalt  }
0x6c: {  	_ =	shalt  }
0x6d: {  	_ =	shalt  }
0x6e: {  	_ =	shalt  }
0x6f: {  	_ =	shalt  }
0x70: {  	_ =	shalt  }
0x71: {  	_ =	shalt  }
0x72: {  	_ =	shalt  }
0x73: {  	_ =	shalt  }
0x74: {  	_ =	shalt  }
0x75: {  	_ =	shalt  }
0x76: {  	_ =	shalt  }
0x77: {  	_ =	shalt  }
0x78: {  	_ =	shalt  }
0x79: {  	_ =	shalt  }
0x7a: {  	_ =	shalt  }
0x7b: {  	_ =	shalt  }
0x7c: {  	_ =	shalt  }
0x7d: {  	_ =	shalt  }
0x7e: {  	_ =	shalt  }
0x7f: {  	_ =	shalt  }
0x80: {  	_ =	shalt  }
0x81: {  	_ =	shalt  }
0x82: {  	_ =	shalt  }
0x83: {  	_ =	shalt  }
0x84: {  	_ =	shalt  }
0x85: {  	_ =	shalt  }
0x86: {  	_ =	shalt  }
0x87: {  	_ =	shalt  }
.Lfunc_end0:
.L_simem_size_0:
called_computation_lowered:
.L_overlay_start_0:
0x88: {  	s2 =	sld [smem:$0x3FD9]  }
0x89: {  	s3 =	sld [smem:$0x3FFE];
	_ =	sdelay $0x1  }
0x8a: {  	s1 =	srdreg.scid  }
0x8b: {  	s0 =	sand.u32 $0x1, s1  }
0x8c: {  	s16 =	sshll.u32 s0, $0xA;
	s2 =	sadd.s32 s3, s2  }
0x8d: {  	s2 =	sadd.s32 s2, s16  }
0x8e: {  	[smem:$0x3FC6] =	sst s2  }
0x8f: {  	_ = 	snop  }
0x90: {  	(tm) =	ssettm $0x1  }
0x91: {  	s17 =	sld [smem:$0x3FFB];
	_ =	sdelay $0x3  }
0x92: {  	_ =	strace s17  }
0x93: {  	s2 =	sld [smem:$0x3FFC];
	_ =	sdelay $0x3  }
0x94: {  	_ =	strace s2  }
0x95: {  	s2 =	sld [smem:$0x3FFD];
	_ =	sdelay $0x3  }
0x96: {  	_ =	strace s2  }
0x97: {  	_ =	strace $0x8FFFFFFF  }
0x98: {  	s18 =	sld [smem:$0x3FDB];
	_ =	sdelay $0x1  }
0x99: {  	s19 =	simm.s32 $_scs_section_size  }
0x9a: {  	s4 =	simm.s32 $_size__tile_overlayer_lowered;
	s5 =	simm.s32 $_tile_overlayer_lowered  }
0x9b: {  	s22 =	simm.s32 $0x1BFF;
	s21 =	sshll.u32 s5, $0x1;
	s2 =	sadd.s32 s19, s18  }
0x9c: {  	s6 =	simm.s32 $0x0;
	s20 =	sshll.u32 s4, $0x1;
	s4 =	sadd.s32 s21, s2  }
0x9d: {  	[timem:s6], [sflag:s22] =	dma.local [hbm:s4], s20  }
0x9e: {  	_ =	swait.ge [sflag:s22], s20  }
0x9f: {  	s3 =	ssub.s32 $0x0, s20;
	[sflag:s22] =	ssyncset.done $0x0  }
0xa0: {  	[sflag:s22] =	ssyncadd.s32 s3;
	_ =	sdelay $0x1  }
0xa1: {  	s23 =	simm.s32 $0x1B8B  }
0xa2: {  	_ =	swait.ge [sflag:s23], $0x1  }
0xa3: {  	[sflag:s23] =	ssyncset.done $0x0  }
0xa4: {  	s25 =	simm.s32 $0x1B8E;
	s24 =	sld [smem:$0x3FFE];
	[sflag:s23] =	ssyncadd.s32 $0xFFFFFFFF  }
0xa5: {  	s26 =	simm.s32 $execute0_lowered;
	[smem:$0x3FD2] =	sst s25  }
0xa6: {  	s4 =	sshll.u32 s26, $0x1;
	_ =	strace $0x80000046;
	[dreg:$0x1] =	wrdreg $0xFFFFFFFF  }
0xa7: {  	s28 =	simm.s32 $_size_execute0_lowered;
	s2 =	sadd.s32 s2, s4;
	[dreg:$0x0] =	wrdreg $0x0  }
0xa8: {  	s4 =	sshll.u32 s28, $0x1;
	[dreg:$0x2] =	wrdreg s2  }
0xa9: {  	[dreg:$0x3] =	wrdreg s4  }
0xaa: {  	[dreg:$0x4] =	wrdreg $0xC0  }
0xab: {  	_ =	task [dreg:s6], $0x5FFFF  }
0xac: {  	[dreg:$0x1] =	wrdreg $0xFFFFFFFF  }
0xad: {  	[dreg:$0x0] =	wrdreg $0x60  }
0xae: {  	[dreg:$0x2] =	wrdreg s24  }
0xaf: {  	[dreg:$0x3] =	wrdreg $0x9  }
0xb0: {  	_ =	task.clear_ibuf [dreg:s6], $0x4FFFF;
	_ =	strace $0x90000046  }
0xb1: {  	s29 =	simm.s32 $0x9;
	_ =	strace $0x80000048  }
0xb2: {  	_ =	swait.ge [sflag:s29], $0x1  }
0xb3: {  	[sflag:s29] =	ssyncadd.s32 $0xFFFFFFFF  }
0xb4: {  	_ =	strace $0x90000048  }
0xb5: {  	_ =	sfence  }
0xb6: {  	s30 =	sld [smem:$0x0];
	_ =	sdelay $0x2  }
0xb7: {  	s31 =	sshll.u32 s1, $0xD;
	s1 =	sshrl.u32 s1, $0x2  }
0xb8: {  	s3 =	sand.u32 $0x4000, s31;
	s1 =	sadd.s32 s1, s30  }
0xb9: {  	s0 =	sor.u32 s3, s0;
	s1 =	sshll.u32 s1, $0x11  }
0xba: {  	s0 =	sor.u32 s1, s0  }
0xbb: {  	s0 =	sadd.s32 $0x8F2B, s0  }
0xbc: {  	[sflag:s0] =	ssyncadd.remote.s32 $0x1  }
0xbd: {  	_ =	sfence.sel $0xFFFF  }
0xbe: {  	[dreg:$0x0] =	wrdreg $0xFFFFFFFF;
	(pc) =	sbr.abs _section_cstart, $3  }
0xbf: {  	[dreg:$0x1] =	wrdreg $0xFFFFFFFF  }
0xc0: {  	_ =	task.clear_ibuf [dreg:s6], $0x2FFFF;
	_ =	strace $0x9FFFFFFF  }
0xc1: {  	(tm) =	ssettm $0x7FFFFFFF  }
tec
execute0_lowered:
.L_overlay_start_1:
0x0: {  	(tag) =	ssettag $0x1  }
0x1: {  	s1 =	srdreg.scid;
	s0 =	stileid.u32  }
0x2: {  	s2 =	rddreg [dreg:$0x0];
	s3 =	simm.s32 $0x0;
	s15 =	sand.u32 $0x1, s1  }
0x3: {  	s30 =	sshll.u32 s0, $0x1;
	s1 =	rddreg [dreg:$0x1];
	s6 =	sshrl.u32 s0, $0x2  }
0x4: {  	[smem:$0x7FF] =	sst s3;
	s4 =	sor.u32 s15, s30;
	s6 =	smul.u32 $0x900, s6  }
0x5: {  	_ =	strace $0x80000047;
	s5 =	sand.u32 $0x7, s4;
	s7 =	smul.u32 $0x9, s4  }
0x6: {  	[tilespmem:s3], [sflag:$0x1] =	stream.linear.gather [hbm4b:s2+s3], $0x2000, $0x38;
	[tilespmem:$0x2280] =	vst v63  }
0x7: {  	s4 =	simm.s32 $0x1;
	s5 =	smul.u32 $0x48, s5  }
0x8: {  	_ =	swait.ge [sflag:s4], $0x2000  }
0x9: {  	s16 =	sadd.s32 s7, s2;
	[sflag:s4] =	ssyncset.done $0x0;
	s8 =	sadd.s32 s6, s5  }
0xa: {  	s5 =	sadd.s32 $0x400, s16;
	s6 =	simm.s32 $0x2000;
	[sflag:s4] =	ssyncadd.s32 $0xFFFFE000  }
0xb: {  	[tilespmem:s6], [sflag:$0x1] =	stream.linear.gather [hbm4b:s5+s3], $0x48, $0x38;
	[tilespmem:$0x2280] =	vst v63  }
0xc: {  	s31 =	sshrl.u32 s8, $0x3;
	_ =	swait.ge [sflag:s4], $0x48  }
0xd: {  	s13 =	sadd.s32 s31, s2;
	[sflag:s4] =	ssyncset.done $0x0  }
0xe: {  	s8 =	simm.s32 $0x2080;
	s7 =	sadd.s32 $0x600, s13;
	[sflag:s4] =	ssyncadd.s32 $0xFFFFFFB8  }
0xf: {  	[tilespmem:s8], [sflag:$0x1] =	stream.linear.gather [hbm4b:s7+s3], $0x48, $0x38;
	[tilespmem:$0x2280] =	vst v63  }
0x10: {  	_ =	swait.ge [sflag:s4], $0x48  }
0x11: {  	[sflag:s4] =	ssyncset.done $0x0  }
0x12: {  	s10 =	simm.s32 $0x20C8;
	s9 =	sadd.s32 $0x648, s13;
	[sflag:s4] =	ssyncadd.s32 $0xFFFFFFB8  }
0x13: {  	[tilespmem:s10], [sflag:$0x1] =	stream.linear.gather [hbm4b:s9+s3], $0x48, $0x38;
	[tilespmem:$0x2280] =	vst v63  }
0x14: {  	_ =	swait.ge [sflag:s4], $0x48  }
0x15: {  	[sflag:s4] =	ssyncset.done $0x0  }
0x16: {  	s12 =	simm.s32 $0x2110;
	s11 =	sadd.s32 $0x690, s13;
	[sflag:s4] =	ssyncadd.s32 $0xFFFFFFB8  }
0x17: {  	[tilespmem:s12], [sflag:$0x1] =	stream.linear.gather [hbm4b:s11+s3], $0x48, $0x38;
	[tilespmem:$0x2280] =	vst v63  }
0x18: {  	_ =	swait.ge [sflag:s4], $0x48  }
0x19: {  	[sflag:s4] =	ssyncset.done $0x0  }
0x1a: {  	s14 =	simm.s32 $0x2158;
	s13 =	sadd.s32 $0x6D8, s13;
	[sflag:s4] =	ssyncadd.s32 $0xFFFFFFB8  }
0x1b: {  	[tilespmem:s14], [sflag:$0x1] =	stream.linear.gather [hbm4b:s13+s3], $0x48, $0x38;
	[tilespmem:$0x2280] =	vst v63  }
0x1c: {  	_ =	swait.ge [sflag:s4], $0x48  }
0x1d: {  	[sflag:s4] =	ssyncset.done $0x0  }
0x1e: {  	[sflag:s4] =	ssyncadd.s32 $0xFFFFFFB8  }
0x1f: {  	v0 =	vld [tilespmem:$0x2080];
	_ =	sdelay $0x1  }
0x20: {  	v1 =	vld [tilespmem:$0x20C8];
	_ =	sdelay $0x1  }
0x21: {  	v2 =	vld [tilespmem:$0x2110];
	_ =	sdelay $0x1  }
0x22: {  	v3 =	vld [tilespmem:$0x2158]  }
0x23: {  	v4 =	vld [tilespmem:$0x2000]  }
0x24: {  	v0 =	vld.idx.msk [tilespmem:v0+s3+$0x0], $0xffff;
	_ =	sdelay $0x1  }
0x25: {  	v1 =	vld.idx.msk [tilespmem:v1+s3+$0x0], $0xffff;
	_ =	sdelay $0x1  }
0x26: {  	v2 =	vld.idx.msk [tilespmem:v2+s3+$0x0], $0xffff  }
0x27: {  	v42 =	vld [tilespmem:$0x2090];
	v0 =	vadd.f32 v0, v4  }
0x28: {  	v3 =	vld.idx.msk [tilespmem:v3+s3+$0x0], $0xffff  }
0x29: {  	v0 =	vadd.f32 v1, v0  }
0x2a: {  	v43 =	vld [tilespmem:$0x20D8]  }
0x2b: {  	v0 =	vadd.f32 v2, v0  }
0x2c: {  	v44 =	vld [tilespmem:$0x2120]  }
0x2d: {  	v0 =	vadd.f32 v3, v0  }
0x2e: {  	v45 =	vld [tilespmem:$0x2168]  }
0x2f: {  	v46 =	vld [tilespmem:$0x2010];
	[tilespmem:$0x2200] =	vst v0  }
0x30: {  	v0 =	vld.idx.msk [tilespmem:v42+s3+$0x0], $0xffff;
	_ =	sdelay $0x1  }
0x31: {  	v1 =	vld.idx.msk [tilespmem:v43+s3+$0x0], $0xffff;
	_ =	sdelay $0x1  }
0x32: {  	v2 =	vld.idx.msk [tilespmem:v44+s3+$0x0], $0xffff  }
0x33: {  	v47 =	vld [tilespmem:$0x20A0];
	v0 =	vadd.f32 v0, v46  }
0x34: {  	v3 =	vld.idx.msk [tilespmem:v45+s3+$0x0], $0xffff  }
0x35: {  	v0 =	vadd.f32 v1, v0  }
0x36: {  	v48 =	vld [tilespmem:$0x20E8]  }
0x37: {  	v0 =	vadd.f32 v2, v0  }
0x38: {  	v49 =	vld [tilespmem:$0x2130]  }
0x39: {  	v0 =	vadd.f32 v3, v0  }
0x3a: {  	v50 =	vld [tilespmem:$0x2178]  }
0x3b: {  	v51 =	vld [tilespmem:$0x2020];
	[tilespmem:$0x2210] =	vst v0  }
0x3c: {  	v0 =	vld.idx.msk [tilespmem:v47+s3+$0x0], $0xffff;
	_ =	sdelay $0x1  }
0x3d: {  	v1 =	vld.idx.msk [tilespmem:v48+s3+$0x0], $0xffff;
	_ =	sdelay $0x1  }
0x3e: {  	v2 =	vld.idx.msk [tilespmem:v49+s3+$0x0], $0xffff  }
0x3f: {  	v52 =	vld [tilespmem:$0x20B0];
	v0 =	vadd.f32 v0, v51  }
0x40: {  	v3 =	vld.idx.msk [tilespmem:v50+s3+$0x0], $0xffff  }
0x41: {  	v0 =	vadd.f32 v1, v0  }
0x42: {  	v53 =	vld [tilespmem:$0x20F8]  }
0x43: {  	v0 =	vadd.f32 v2, v0  }
0x44: {  	v54 =	vld [tilespmem:$0x2140]  }
0x45: {  	v0 =	vadd.f32 v3, v0  }
0x46: {  	v5 =	vld [tilespmem:$0x2188]  }
0x47: {  	v55 =	vld [tilespmem:$0x2030];
	[tilespmem:$0x2220] =	vst v0  }
0x48: {  	v56 =	vld.idx.msk [tilespmem:v52+s3+$0x0], $0xffff;
	_ =	sdelay $0x1  }
0x49: {  	v1 =	vld.idx.msk [tilespmem:v53+s3+$0x0], $0xffff;
	_ =	sdelay $0x1  }
0x4a: {  	v2 =	vld.idx.msk [tilespmem:v54+s3+$0x0], $0xffff  }
0x4b: {  	v58 =	vld [tilespmem:$0x20B8];
	v0 =	vadd.f32 v56, v55  }
0x4c: {  	v57 =	vld.idx.msk [tilespmem:v5+s3+$0x0], $0xffff  }
0x4d: {  	v0 =	vadd.f32 v1, v0  }
0x4e: {  	v59 =	vld [tilespmem:$0x2100]  }
0x4f: {  	v0 =	vadd.f32 v2, v0  }
0x50: {  	v60 =	vld [tilespmem:$0x2148]  }
0x51: {  	v0 =	vadd.f32 v57, v0  }
0x52: {  	v61 =	vld [tilespmem:$0x2190]  }
0x53: {  	v62 =	vld [tilespmem:$0x2038];
	[tilespmem:$0x2230] =	vst v0  }
0x54: {  	v3 =	vld.idx.msk [tilespmem:v58+s3+$0x0], $0xffff;
	_ =	sdelay $0x1  }
0x55: {  	v1 =	vld.idx.msk [tilespmem:v59+s3+$0x0], $0xffff;
	_ =	sdelay $0x1  }
0x56: {  	v2 =	vld.idx.msk [tilespmem:v60+s3+$0x0], $0xffff  }
0x57: {  	v0 =	vadd.f32 v3, v62  }
0x58: {  	v63 =	vld.idx.msk [tilespmem:v61+s3+$0x0], $0xffff  }
0x59: {  	s15 =	ssub.s32 $0x2, s15;
	v0 =	vadd.f32 v1, v0  }
0x5a: {  	s17 =	sshrl.u32 s15, $0x1  }
0x5b: {  	s17 =	ssub.s32 s15, s17;
	v0 =	vadd.f32 v2, v0  }
0x5c: {  	s17 =	smax.u32 s17, $0x1  }
0x5d: {  	p0 =	sne.s32 s17, $0x1;
	v0 =	vadd.f32 v63, v0  }
.Ltmp0:
0x5e: {  	_ = 	snop;
	(pc) =	sbr.rel @!p0 .LBB2_2-.Ltmp0, $4  }
0x5f: {  	s15 =	sadd.s32 $0xC00, s16;
	s16 =	simm.s32 $0x2200;
	[tilespmem:$0x2238] =	vst v0  }
0x60: {  	[hbm4b:s15+s3] =	stream.linear.scatter [tilespmem:s16], [sflag:$0x1], $0x48, $0x38;
	[tilespmem:$0x2280] =	vst v63  }
0x61: {  	_ =	swait.ge [sflag:s4], $0x48  }
0x62: {  	s17 =	sadd.s32 $0xFFFFFFFF, s17;
	[sflag:s4] =	ssyncset.done $0x0  }
.LBB2_1:
0x63: {  	p0 =	sne.s32 s17, $0x1;
	s17 =	sadd.s32 $0xFFFFFFFF, s17;
	[sflag:s4] =	ssyncadd.s32 $0xFFFFFFB8  }
0x64: {  	[tilespmem:s3], [sflag:$0x1] =	stream.linear.gather [hbm4b:s2+s3], $0x2000, $0x38;
	[tilespmem:$0x2280] =	vst v63  }
0x65: {  	_ =	swait.ge [sflag:s4], $0x2000  }
0x66: {  	[sflag:s4] =	ssyncset.done $0x0  }
0x67: {  	[sflag:s4] =	ssyncadd.s32 $0xFFFFE000  }
0x68: {  	[tilespmem:s6], [sflag:$0x1] =	stream.linear.gather [hbm4b:s5+s3], $0x48, $0x38;
	[tilespmem:$0x2280] =	vst v63  }
0x69: {  	_ =	swait.ge [sflag:s4], $0x48  }
0x6a: {  	[sflag:s4] =	ssyncset.done $0x0  }
0x6b: {  	[sflag:s4] =	ssyncadd.s32 $0xFFFFFFB8  }
0x6c: {  	[tilespmem:s8], [sflag:$0x1] =	stream.linear.gather [hbm4b:s7+s3], $0x48, $0x38;
	[tilespmem:$0x2280] =	vst v63  }
0x6d: {  	_ =	swait.ge [sflag:s4], $0x48  }
0x6e: {  	[sflag:s4] =	ssyncset.done $0x0  }
0x6f: {  	[sflag:s4] =	ssyncadd.s32 $0xFFFFFFB8  }
0x70: {  	[tilespmem:s10], [sflag:$0x1] =	stream.linear.gather [hbm4b:s9+s3], $0x48, $0x38;
	[tilespmem:$0x2280] =	vst v63  }
0x71: {  	_ =	swait.ge [sflag:s4], $0x48  }
0x72: {  	[sflag:s4] =	ssyncset.done $0x0  }
0x73: {  	[sflag:s4] =	ssyncadd.s32 $0xFFFFFFB8  }
0x74: {  	[tilespmem:s12], [sflag:$0x1] =	stream.linear.gather [hbm4b:s11+s3], $0x48, $0x38;
	[tilespmem:$0x2280] =	vst v63  }
0x75: {  	_ =	swait.ge [sflag:s4], $0x48  }
0x76: {  	[sflag:s4] =	ssyncset.done $0x0  }
0x77: {  	[sflag:s4] =	ssyncadd.s32 $0xFFFFFFB8  }
0x78: {  	[tilespmem:s14], [sflag:$0x1] =	stream.linear.gather [hbm4b:s13+s3], $0x48, $0x38;
	[tilespmem:$0x2280] =	vst v63  }
0x79: {  	_ =	swait.ge [sflag:s4], $0x48  }
0x7a: {  	[sflag:s4] =	ssyncset.done $0x0  }
0x7b: {  	[sflag:s4] =	ssyncadd.s32 $0xFFFFFFB8  }
0x7c: {  	v0 =	vld [tilespmem:$0x2080]  }
0x7d: {  	v1 =	vld [tilespmem:$0x20C8]  }
0x7e: {  	v2 =	vld [tilespmem:$0x2110]  }
0x7f: {  	v3 =	vld [tilespmem:$0x2158];
	_ =	sdelay $0x4  }
0x80: {  	v0 =	vld.idx.msk [tilespmem:v0+s3+$0x0], $0xffff  }
0x81: {  	v4 =	vld [tilespmem:$0x2000]  }
0x82: {  	v1 =	vld.idx.msk [tilespmem:v1+s3+$0x0], $0xffff;
	_ =	sdelay $0x1  }
0x83: {  	v2 =	vld.idx.msk [tilespmem:v2+s3+$0x0], $0xffff;
	_ =	sdelay $0x1  }
0x84: {  	v0 =	vadd.f32 v0, v4;
	v3 =	vld.idx.msk [tilespmem:v3+s3+$0x0], $0xffff  }
0x85: {  	v4 =	vld [tilespmem:$0x2090]  }
0x86: {  	v0 =	vadd.f32 v1, v0  }
0x87: {  	v1 =	vld [tilespmem:$0x20D8]  }
0x88: {  	v0 =	vadd.f32 v2, v0  }
0x89: {  	v2 =	vld [tilespmem:$0x2120]  }
0x8a: {  	v0 =	vadd.f32 v3, v0  }
0x8b: {  	v3 =	vld [tilespmem:$0x2168]  }
0x8c: {  	[tilespmem:$0x2200] =	vst v0  }
0x8d: {  	v0 =	vld.idx.msk [tilespmem:v4+s3+$0x0], $0xffff  }
0x8e: {  	v4 =	vld [tilespmem:$0x2010]  }
0x8f: {  	v1 =	vld.idx.msk [tilespmem:v1+s3+$0x0], $0xffff;
	_ =	sdelay $0x1  }
0x90: {  	v2 =	vld.idx.msk [tilespmem:v2+s3+$0x0], $0xffff;
	_ =	sdelay $0x1  }
0x91: {  	v0 =	vadd.f32 v0, v4;
	v3 =	vld.idx.msk [tilespmem:v3+s3+$0x0], $0xffff  }
0x92: {  	v4 =	vld [tilespmem:$0x20A0]  }
0x93: {  	v0 =	vadd.f32 v1, v0  }
0x94: {  	v1 =	vld [tilespmem:$0x20E8]  }
0x95: {  	v0 =	vadd.f32 v2, v0  }
0x96: {  	v2 =	vld [tilespmem:$0x2130]  }
0x97: {  	v0 =	vadd.f32 v3, v0  }
0x98: {  	v3 =	vld [tilespmem:$0x2178]  }
0x99: {  	[tilespmem:$0x2210] =	vst v0  }
0x9a: {  	v0 =	vld.idx.msk [tilespmem:v4+s3+$0x0], $0xffff  }
0x9b: {  	v4 =	vld [tilespmem:$0x2020]  }
0x9c: {  	v1 =	vld.idx.msk [tilespmem:v1+s3+$0x0], $0xffff;
	_ =	sdelay $0x1  }
0x9d: {  	v2 =	vld.idx.msk [tilespmem:v2+s3+$0x0], $0xffff;
	_ =	sdelay $0x1  }
0x9e: {  	v0 =	vadd.f32 v0, v4;
	v3 =	vld.idx.msk [tilespmem:v3+s3+$0x0], $0xffff  }
0x9f: {  	v4 =	vld [tilespmem:$0x20B0]  }
0xa0: {  	v0 =	vadd.f32 v1, v0;
	v1 =	vld [tilespmem:$0x20F8]  }
0xa1: {  	v5 =	vld [tilespmem:$0x2140]  }
0xa2: {  	v0 =	vadd.f32 v2, v0;
	v2 =	vld [tilespmem:$0x2188];
	_ =	sdelay $0x1  }
0xa3: {  	v0 =	vadd.f32 v3, v0;
	_ =	sdelay $0x1  }
0xa4: {  	[tilespmem:$0x2220] =	vst v0;
	v0 =	vld [tilespmem:$0x2030]  }
0xa5: {  	v3 =	vld.idx.msk [tilespmem:v4+s3+$0x0], $0xffff  }
0xa6: {  	v1 =	vld.idx.msk [tilespmem:v1+s3+$0x0], $0xffff  }
0xa7: {  	v4 =	vld.idx.msk [tilespmem:v5+s3+$0x0], $0xffff  }
0xa8: {  	v2 =	vld.idx.msk [tilespmem:v2+s3+$0x0], $0xffff;
	_ =	sdelay $0x2  }
0xa9: {  	v0 =	vadd.f32 v3, v0  }
0xaa: {  	v3 =	vld [tilespmem:$0x20B8]  }
0xab: {  	v0 =	vadd.f32 v1, v0;
	v1 =	vld [tilespmem:$0x2100]  }
0xac: {  	v5 =	vld [tilespmem:$0x2148]  }
0xad: {  	v0 =	vadd.f32 v4, v0;
	v4 =	vld [tilespmem:$0x2190];
	_ =	sdelay $0x1  }
0xae: {  	v0 =	vadd.f32 v2, v0;
	_ =	sdelay $0x1  }
0xaf: {  	[tilespmem:$0x2230] =	vst v0;
	v0 =	vld [tilespmem:$0x2038]  }
0xb0: {  	v2 =	vld.idx.msk [tilespmem:v3+s3+$0x0], $0xffff  }
0xb1: {  	v1 =	vld.idx.msk [tilespmem:v1+s3+$0x0], $0xffff  }
0xb2: {  	v3 =	vld.idx.msk [tilespmem:v5+s3+$0x0], $0xffff  }
0xb3: {  	v4 =	vld.idx.msk [tilespmem:v4+s3+$0x0], $0xffff;
	_ =	sdelay $0x2  }
0xb4: {  	v0 =	vadd.f32 v2, v0;
	_ =	sdelay $0x1  }
0xb5: {  	v0 =	vadd.f32 v1, v0;
	_ =	sdelay $0x1  }
0xb6: {  	v0 =	vadd.f32 v3, v0;
	_ =	sdelay $0x1  }
0xb7: {  	v0 =	vadd.f32 v4, v0  }
.Ltmp1:
0xb8: {  	(pc) =	sbr.rel @p0 .LBB2_1-.Ltmp1, $4  }
0xb9: {  	[tilespmem:$0x2238] =	vst v0  }
0xba: {  	[hbm4b:s15+s3] =	stream.linear.scatter [tilespmem:s16], [sflag:$0x1], $0x48, $0x38;
	[tilespmem:$0x2280] =	vst v63  }
0xbb: {  	_ =	swait.ge [sflag:s4], $0x48  }
0xbc: {  	[sflag:s4] =	ssyncset.done $0x0  }
.LBB2_2:
0xbd: {  	[sflag:s4] =	ssyncadd.s32 $0xFFFFFFB8  }
0xbe: {  	_ =	sfence.sel $0x180000  }
0xbf: {  	[bflag:$0x0] =	sbarrier.arrive $0xFFFF  }
0xc0: {  	p0 =	sne.s32 s0, $0x0;
	_ =	strace $0x90000047  }
0xc1: {  	s0 =	sadd.s32 @!p0 $0x100000, s1;
	[bflag:$0x2] =	sbarrier.arrive $0xFFFF  }
0xc2: {  	[sflag:s0] =	ssyncadd.tile.s32 @!p0 $0x1;
	_ =	shalt  }
.Lfunc_end2:
_tile_overlayer_lowered:
.L_overlay_start_2:
0xc3: {  	(tag) =	ssettag $0x2  }
0xc4: {  	s0 =	rddreg [dreg:$0x0];
	s2 =	stileid.u32  }
0xc5: {  	s1 =	rddreg [dreg:$0x1];
	p0 =	sne.s32 s2, $0x0  }
0xc6: {  	s3 =	rddreg [dreg:$0x2];
	[bflag:$0x3] =	sbarrier.arrive $0xFFFF;
	s2 =	simm.s32 @!p0 $0x1C01  }
0xc7: {  	[timem:s3], [sflag:s2] =	dma.local @!p0 [hbm:s0], s1  }
0xc8: {  	s0 =	simm.s32 @!p0 $0x1  }
0xc9: {  	_ =	swait.ge @!p0 [sflag:s0], s1  }
0xca: {  	s1 =	ssub.s32 @!p0 $0x0, s1;
	[sflag:s0] =	ssyncset.done @!p0 $0x0  }
0xcb: {  	[sflag:s0] =	ssyncadd.s32 @!p0 s1  }
0xcc: {  	[bflag:$0x3] =	sbarrier.arrive $0xFFFF  }
0xcd: {  	_ =	shalt  }

</sc_bundles>
